<compile_context>
chip_gen: v7x
topology: tpu7x:2x2x1
jax: 0.10.2.dev20260603
libtpu: 0.0.44.dev20260713+nightly
codegen_flags: <defaults>
</compile_context>

<pallas_src>
import jax
import jax.numpy as jnp
from jax import lax
from jax.experimental import pallas as pl
from jax.experimental.pallas import tpu as pltpu
from jax.experimental.pallas import tpu_sc as plsc

N = 10000
E = 320000
D = 128
H = 128

NC = 2
NS = 16
NW = NC * NS
C = 128
NCH = E // C
FULL = NCH // NW
EXTRA = NCH - FULL * NW
NP = 10240
RCH = 128
NRCH = NP // RCH
CPT = NRCH // NS

_f32 = jnp.float32


def _copy_out(cid, sid, acc_sh, acc_hbm, sem):
    for k in range(CPT):
        j = sid * CPT + k
        pltpu.async_copy(acc_sh.at[pl.ds(j * RCH, RCH)],
                         acc_hbm.at[pl.ds(cid * NP + j * RCH, RCH)], sem)
    for k in range(CPT):
        j = sid * CPT + k
        pltpu.make_async_copy(acc_sh.at[pl.ds(j * RCH, RCH)],
                              acc_hbm.at[pl.ds(cid * NP + j * RCH, RCH)],
                              sem).wait()


def _sc_agg_body(y_hbm, ei_hbm, zrow_hbm, acc_hbm,
                 idx_a, rows_a, idx_b, rows_b,
                 acc_sh, sem_a, sem_b):
    cid = lax.axis_index("c")
    sid = lax.axis_index("s")
    wid = cid * NS + sid

    def load_and_gather(i, idx_v, rows_v, gsem):
        b = (wid + i * NW) * C
        pltpu.sync_copy(ei_hbm.at[:, pl.ds(b, C)], idx_v)
        pltpu.async_copy(y_hbm.at[idx_v.at[0]], rows_v, gsem)

    def wait_and_scatter(idx_v, rows_v, gsem):
        pltpu.make_async_copy(y_hbm.at[idx_v.at[0]], rows_v, gsem).wait()
        pltpu.sync_copy(rows_v, acc_sh.at[idx_v.at[1]], add=True)

    pltpu.sync_copy(zrow_hbm, rows_a)
    for k in range(CPT):
        j = sid * CPT + k
        pltpu.async_copy(rows_a, acc_sh.at[pl.ds(j * RCH, RCH)], sem_a)
    load_and_gather(0, idx_b, rows_b, sem_b)
    for k in range(CPT):
        j = sid * CPT + k
        pltpu.make_async_copy(rows_a, acc_sh.at[pl.ds(j * RCH, RCH)],
                              sem_a).wait()
    plsc.subcore_barrier()

    def ebody(k, carry):
        i = 2 * k
        load_and_gather(i + 1, idx_a, rows_a, sem_a)
        wait_and_scatter(idx_b, rows_b, sem_b)
        load_and_gather(i + 2, idx_b, rows_b, sem_b)
        wait_and_scatter(idx_a, rows_a, sem_a)
        return carry

    lax.fori_loop(0, (FULL - 2) // 2, ebody, 0)
    load_and_gather(FULL - 1, idx_a, rows_a, sem_a)
    wait_and_scatter(idx_b, rows_b, sem_b)
    wait_and_scatter(idx_a, rows_a, sem_a)

    @pl.when(wid < EXTRA)
    def _():
        b = (FULL * NW + wid) * C
        pltpu.sync_copy(ei_hbm.at[:, pl.ds(b, C)], idx_a)
        pltpu.async_copy(y_hbm.at[idx_a.at[0]], rows_a, sem_a)
        pltpu.make_async_copy(y_hbm.at[idx_a.at[0]], rows_a, sem_a).wait()
        pltpu.sync_copy(rows_a, acc_sh.at[idx_a.at[1]], add=True)

    plsc.subcore_barrier()
    _copy_out(cid, sid, acc_sh, acc_hbm, sem_a)


_sc_mesh = plsc.VectorSubcoreMesh(core_axis_name="c", subcore_axis_name="s")

_sc_agg = pl.kernel(
    _sc_agg_body,
    out_type=jax.ShapeDtypeStruct((NC * NP, H), _f32),
    mesh=_sc_mesh,
    scratch_types=[
        pltpu.VMEM((2, C), jnp.int32),
        pltpu.VMEM((C, H), _f32),
        pltpu.VMEM((2, C), jnp.int32),
        pltpu.VMEM((C, H), _f32),
        pltpu.VMEM_SHARED((NP, H), _f32),
        pltpu.SemaphoreType.DMA,
        pltpu.SemaphoreType.DMA,
    ],
)

_DN = (((1,), (1,)), ((), ()))

CB = 12800
GS = E // CB


def _tc_cnt_body(d_ref, o_ref):
    i = pl.program_id(0)
    d = d_ref[0]
    rows = lax.broadcasted_iota(jnp.int32, (128, 1), 0)
    m_hi = (rows == (d >> 7)).astype(jnp.bfloat16)
    m_lo = (rows == (d & 127)).astype(jnp.bfloat16)
    part = lax.dot_general(m_hi, m_lo, (((1,), (1,)), ((), ())),
                           preferred_element_type=_f32)

    @pl.when(i == 0)
    def _():
        o_ref[...] = part

    @pl.when(i > 0)
    def _():
        o_ref[...] += part


_tc_cnt = pl.pallas_call(
    _tc_cnt_body,
    grid=(GS,),
    in_specs=[pl.BlockSpec((1, 1, CB), lambda i: (i, 0, 0))],
    out_specs=pl.BlockSpec((128, 128), lambda i: (0, 0)),
    out_shape=jax.ShapeDtypeStruct((128, 128), _f32),
)


def _tc_pre_body(x_ref, wl_ref, wr_ref, b_ref, y_ref, z_ref):
    x = x_ref[...]
    y_ref[...] = lax.dot_general(x, wl_ref[...], _DN,
                                 preferred_element_type=_f32)
    z_ref[...] = lax.dot_general(x, wr_ref[...], _DN,
                                 preferred_element_type=_f32) + b_ref[...]


def _inv_cnt(cnt_ref):
    return 1.0 / jnp.maximum(cnt_ref[...], 1.0)


def _tc_mid_body(acc_ref, cnt_ref, z_ref, wl_ref, wr_ref, b_ref,
                 y2_ref, z2_ref):
    acc = acc_ref[:N, :] + acc_ref[NP:NP + N, :]
    h = jnp.maximum(acc * _inv_cnt(cnt_ref) + z_ref[...], 0.0)
    y2_ref[...] = lax.dot_general(h, wl_ref[...], _DN,
                                  preferred_element_type=_f32)
    z2_ref[...] = lax.dot_general(h, wr_ref[...], _DN,
                                  preferred_element_type=_f32) + b_ref[...]


def _tc_post_body(acc_ref, cnt_ref, z_ref, o_ref):
    acc = acc_ref[:N, :] + acc_ref[NP:NP + N, :]
    o_ref[...] = acc * _inv_cnt(cnt_ref) + z_ref[...]


_nh = jax.ShapeDtypeStruct((N, H), _f32)

_tc_pre = pl.pallas_call(_tc_pre_body, out_shape=[_nh, _nh])
_tc_mid = pl.pallas_call(_tc_mid_body, out_shape=[_nh, _nh])
_tc_post = pl.pallas_call(_tc_post_body, out_shape=_nh)


@jax.jit
def kernel(x, edge_index, Wl1, Wr1, b1, Wl2, Wr2, b2):
    zrow = jnp.zeros((RCH, H), _f32)

    y1, z1 = _tc_pre(x, Wl1, Wr1, b1.reshape(1, H))
    cntm = _tc_cnt(edge_index[1].reshape(GS, 1, CB))
    cntc = cntm.reshape(128 * 128, 1)[:N]
    p1 = _sc_agg(y1, edge_index, zrow)
    y2, z2 = _tc_mid(p1, cntc, z1, Wl2, Wr2, b2.reshape(1, H))
    p2 = _sc_agg(y2, edge_index, zrow)
    return _tc_post(p2, cntc, z2)

# --- scband reference (transcript-rebuilt; emitter-appended) ---
"""Pipeline reference for scband-encoder-82042465288475 (READ-ONLY COPY).

The authoritative reference and input builder live on the scoring server;
editing this copy changes nothing except your own understanding.
"""

import jax, jax.numpy as jnp
import numpy as np

N = 10000
E = 320000
D = 128
H = 128


def _glorot(key, shape):
    fan_in = shape[1]
    bound = 1.0 / np.sqrt(fan_in)
    return jax.random.uniform(key, shape, dtype=jnp.float32, minval=-bound, maxval=bound)


def setup_inputs(seed: int = 0) -> dict:
    key = jax.random.key(seed)
    ks = jax.random.split(key, 9)
    x = jax.random.normal(ks[0], (N, D), dtype=jnp.float32)
    edge_index = jax.random.randint(ks[1], (2, E), 0, N, dtype=jnp.int32)
    Wl1 = _glorot(ks[2], (H, D))
    Wr1 = _glorot(ks[3], (H, D))
    b1 = jnp.zeros((H,), dtype=jnp.float32)
    Wl2 = _glorot(ks[4], (H, H))
    Wr2 = _glorot(ks[5], (H, H))
    b2 = jnp.zeros((H,), dtype=jnp.float32)
    return {"x": x, "edge_index": edge_index, "Wl1": Wl1, "Wr1": Wr1, "b1": b1, "Wl2": Wl2, "Wr2": Wr2, "b2": b2}


def _sage_conv(x, src, dst, Wl, Wr, b):
    # PyG SAGEConv with mean aggregation:
    #   out = lin_l(mean_{j in N(i)} x_j) + lin_r(x_i)
    msgs = x[src]                                   # gather source-node features
    agg = jax.ops.segment_sum(msgs, dst, num_segments=N)
    cnt = jax.ops.segment_sum(jnp.ones((msgs.shape[0], 1), dtype=x.dtype), dst, num_segments=N)
    mean = agg / jnp.clip(cnt, 1.0)
    return mean @ Wl.T + b + x @ Wr.T


def reference(x, edge_index, Wl1, Wr1, b1, Wl2, Wr2, b2):
    src = edge_index[0]
    dst = edge_index[1]
    h = _sage_conv(x, src, dst, Wl1, Wr1, b1)
    h = jax.nn.relu(h)
    # dropout is identity in eval mode
    out = _sage_conv(h, src, dst, Wl2, Wr2, b2)
    return out

if __name__ == "__main__":
    import jax
    _d = setup_inputs()
    print(jax.jit(kernel)(*tuple(_d.values())))

</pallas_src>

<mosaic_0001>
#map = affine_map<(d0, d1) -> (0, 0)>
module attributes {stable_mosaic.version = 14 : i64} {
  func.func @_sc_agg_body(%arg0: i32, %arg1: i32, %arg2: memref<10000x128xf32, #tpu.memory_space<hbm>>, %arg3: memref<2x320000xi32, #tpu.memory_space<hbm>>, %arg4: memref<128x128xf32, #tpu.memory_space<hbm>>, %arg5: memref<20480x128xf32, #tpu.memory_space<hbm>>, %arg6: memref<2x128xi32, #tpu.memory_space<vmem>>, %arg7: memref<128x128xf32, #tpu.memory_space<vmem>>, %arg8: memref<2x128xi32, #tpu.memory_space<vmem>>, %arg9: memref<128x128xf32, #tpu.memory_space<vmem>>, %arg10: memref<10240x128xf32, #tpu.memory_space<vmem_shared>>, %arg11: memref<!tpu.dma_semaphore, #tpu.memory_space<semaphore_mem>>, %arg12: memref<!tpu.dma_semaphore, #tpu.memory_space<semaphore_mem>>) attributes {dimension_semantics = [#tpu.dimension_semantics<core_parallel>, #tpu.dimension_semantics<subcore_parallel>], iteration_bounds = array<i64: 2, 16>, scalar_prefetch = 0 : i64, scratch_operands = 7 : i64, tpu.core_type = #tpu.core_type<sc_vector_subcore>, window_params = [{transform_indices = #map}, {transform_indices = #map}, {transform_indices = #map}, {transform_indices = #map}]} {
    %mul3A = arith.constant 16 : i32
    %mul3A_0 = arith.muli %arg0, %mul3A : i32
    %add3A = arith.addi %mul3A_0, %arg1 : i32
    "tpu.region"() ({
      %run_scoped3A_294 = tpu.sem_alloc : memref<!tpu.dma_semaphore, #tpu.memory_space<semaphore_mem>>
      tpu.enqueue_dma source(%arg4 : memref<128x128xf32, #tpu.memory_space<hbm>>) target(%arg7 : memref<128x128xf32, #tpu.memory_space<vmem>>) target_semaphore(%run_scoped3A_294 : memref<!tpu.dma_semaphore, #tpu.memory_space<semaphore_mem>>)
      tpu.wait_dma2 semaphore(%run_scoped3A_294 : memref<!tpu.dma_semaphore, #tpu.memory_space<semaphore_mem>>) src(%arg4 : memref<128x128xf32, #tpu.memory_space<hbm>>) dst(%arg7 : memref<128x128xf32, #tpu.memory_space<vmem>>)
      tpu.yield
    }) : () -> ()
    %mul3A_1 = arith.constant 5 : i32
    %mul3A_2 = arith.muli %arg1, %mul3A_1 : i32
    %add3A_3 = arith.constant 0 : i32
    %add3A_4 = arith.addi %mul3A_2, %add3A_3 : i32
    %mul3A_5 = arith.constant 128 : i32
    %mul3A_6 = arith.muli %add3A_4, %mul3A_5 : i32
    %dma_start3A = arith.constant 0 : i32
    %dma_start3A_7 = tpu.memref_slice %arg10[%mul3A_6, %dma_start3A] : memref<10240x128xf32, #tpu.memory_space<vmem_shared>> -> memref<128x128xf32, #tpu.memory_space<vmem_shared>>
    %dma_start3A_8 = arith.constant 0 : i32
    %dma_start3A_9 = tpu.memref_slice %arg10[%mul3A_6, %dma_start3A_8] : memref<10240x128xf32, #tpu.memory_space<vmem_shared>> -> memref<128x128xf32, #tpu.memory_space<vmem_shared>>
    tpu.enqueue_dma source(%arg7 : memref<128x128xf32, #tpu.memory_space<vmem>>) target(%dma_start3A_9 : memref<128x128xf32, #tpu.memory_space<vmem_shared>>) target_semaphore(%arg11 : memref<!tpu.dma_semaphore, #tpu.memory_space<semaphore_mem>>)
    %mul3A_10 = arith.constant 5 : i32
    %mul3A_11 = arith.muli %arg1, %mul3A_10 : i32
    %add3A_12 = arith.constant 1 : i32
    %add3A_13 = arith.addi %mul3A_11, %add3A_12 : i32
    %mul3A_14 = arith.constant 128 : i32
    %mul3A_15 = arith.muli %add3A_13, %mul3A_14 : i32
    %dma_start3A_16 = arith.constant 0 : i32
    %dma_start3A_17 = tpu.memref_slice %arg10[%mul3A_15, %dma_start3A_16] : memref<10240x128xf32, #tpu.memory_space<vmem_shared>> -> memref<128x128xf32, #tpu.memory_space<vmem_shared>>
    %dma_start3A_18 = arith.constant 0 : i32
    %dma_start3A_19 = tpu.memref_slice %arg10[%mul3A_15, %dma_start3A_18] : memref<10240x128xf32, #tpu.memory_space<vmem_shared>> -> memref<128x128xf32, #tpu.memory_space<vmem_shared>>
    tpu.enqueue_dma source(%arg7 : memref<128x128xf32, #tpu.memory_space<vmem>>) target(%dma_start3A_19 : memref<128x128xf32, #tpu.memory_space<vmem_shared>>) target_semaphore(%arg11 : memref<!tpu.dma_semaphore, #tpu.memory_space<semaphore_mem>>)
    %mul3A_20 = arith.constant 5 : i32
    %mul3A_21 = arith.muli %arg1, %mul3A_20 : i32
    %add3A_22 = arith.constant 2 : i32
    %add3A_23 = arith.addi %mul3A_21, %add3A_22 : i32
    %mul3A_24 = arith.constant 128 : i32
    %mul3A_25 = arith.muli %add3A_23, %mul3A_24 : i32
    %dma_start3A_26 = arith.constant 0 : i32
    %dma_start3A_27 = tpu.memref_slice %arg10[%mul3A_25, %dma_start3A_26] : memref<10240x128xf32, #tpu.memory_space<vmem_shared>> -> memref<128x128xf32, #tpu.memory_space<vmem_shared>>
    %dma_start3A_28 = arith.constant 0 : i32
    %dma_start3A_29 = tpu.memref_slice %arg10[%mul3A_25, %dma_start3A_28] : memref<10240x128xf32, #tpu.memory_space<vmem_shared>> -> memref<128x128xf32, #tpu.memory_space<vmem_shared>>
    tpu.enqueue_dma source(%arg7 : memref<128x128xf32, #tpu.memory_space<vmem>>) target(%dma_start3A_29 : memref<128x128xf32, #tpu.memory_space<vmem_shared>>) target_semaphore(%arg11 : memref<!tpu.dma_semaphore, #tpu.memory_space<semaphore_mem>>)
    %mul3A_30 = arith.constant 5 : i32
    %mul3A_31 = arith.muli %arg1, %mul3A_30 : i32
    %add3A_32 = arith.constant 3 : i32
    %add3A_33 = arith.addi %mul3A_31, %add3A_32 : i32
    %mul3A_34 = arith.constant 128 : i32
    %mul3A_35 = arith.muli %add3A_33, %mul3A_34 : i32
    %dma_start3A_36 = arith.constant 0 : i32
    %dma_start3A_37 = tpu.memref_slice %arg10[%mul3A_35, %dma_start3A_36] : memref<10240x128xf32, #tpu.memory_space<vmem_shared>> -> memref<128x128xf32, #tpu.memory_space<vmem_shared>>
    %dma_start3A_38 = arith.constant 0 : i32
    %dma_start3A_39 = tpu.memref_slice %arg10[%mul3A_35, %dma_start3A_38] : memref<10240x128xf32, #tpu.memory_space<vmem_shared>> -> memref<128x128xf32, #tpu.memory_space<vmem_shared>>
    tpu.enqueue_dma source(%arg7 : memref<128x128xf32, #tpu.memory_space<vmem>>) target(%dma_start3A_39 : memref<128x128xf32, #tpu.memory_space<vmem_shared>>) target_semaphore(%arg11 : memref<!tpu.dma_semaphore, #tpu.memory_space<semaphore_mem>>)
    %mul3A_40 = arith.constant 5 : i32
    %mul3A_41 = arith.muli %arg1, %mul3A_40 : i32
    %add3A_42 = arith.constant 4 : i32
    %add3A_43 = arith.addi %mul3A_41, %add3A_42 : i32
    %mul3A_44 = arith.constant 128 : i32
    %mul3A_45 = arith.muli %add3A_43, %mul3A_44 : i32
    %dma_start3A_46 = arith.constant 0 : i32
    %dma_start3A_47 = tpu.memref_slice %arg10[%mul3A_45, %dma_start3A_46] : memref<10240x128xf32, #tpu.memory_space<vmem_shared>> -> memref<128x128xf32, #tpu.memory_space<vmem_shared>>
    %dma_start3A_48 = arith.constant 0 : i32
    %dma_start3A_49 = tpu.memref_slice %arg10[%mul3A_45, %dma_start3A_48] : memref<10240x128xf32, #tpu.memory_space<vmem_shared>> -> memref<128x128xf32, #tpu.memory_space<vmem_shared>>
    tpu.enqueue_dma source(%arg7 : memref<128x128xf32, #tpu.memory_space<vmem>>) target(%dma_start3A_49 : memref<128x128xf32, #tpu.memory_space<vmem_shared>>) target_semaphore(%arg11 : memref<!tpu.dma_semaphore, #tpu.memory_space<semaphore_mem>>)
    %add3A_50 = arith.constant 0 : i32
    %add3A_51 = arith.addi %add3A, %add3A_50 : i32
    %mul3A_52 = arith.constant 128 : i32
    %mul3A_53 = arith.muli %add3A_51, %mul3A_52 : i32
    "tpu.region"() ({
      %run_scoped3A_294 = tpu.sem_alloc : memref<!tpu.dma_semaphore, #tpu.memory_space<semaphore_mem>>
      %dma_start3A_295 = arith.constant 0 : i32
      %dma_start3A_296 = tpu.memref_slice %arg3[%dma_start3A_295, %mul3A_53] : memref<2x320000xi32, #tpu.memory_space<hbm>> -> memref<2x128xi32, #tpu.memory_space<hbm>>
      %dma_start3A_297 = arith.constant 0 : i32
      %dma_start3A_298 = tpu.memref_slice %arg3[%dma_start3A_297, %mul3A_53] : memref<2x320000xi32, #tpu.memory_space<hbm>> -> memref<2x128xi32, #tpu.memory_space<hbm>>
      tpu.enqueue_dma source(%dma_start3A_298 : memref<2x128xi32, #tpu.memory_space<hbm>>) target(%arg8 : memref<2x128xi32, #tpu.memory_space<vmem>>) target_semaphore(%run_scoped3A_294 : memref<!tpu.dma_semaphore, #tpu.memory_space<semaphore_mem>>)
      %dma_wait3A_299 = arith.constant 0 : i32
      %dma_wait3A_300 = tpu.memref_slice %arg3[%dma_wait3A_299, %mul3A_53] : memref<2x320000xi32, #tpu.memory_space<hbm>> -> memref<2x128xi32, #tpu.memory_space<hbm>>
      %dma_wait3A_301 = arith.constant 0 : i32
      %dma_wait3A_302 = tpu.memref_slice %arg3[%dma_wait3A_301, %mul3A_53] : memref<2x320000xi32, #tpu.memory_space<hbm>> -> memref<2x128xi32, #tpu.memory_space<hbm>>
      tpu.wait_dma2 semaphore(%run_scoped3A_294 : memref<!tpu.dma_semaphore, #tpu.memory_space<semaphore_mem>>) src(%dma_wait3A_302 : memref<2x128xi32, #tpu.memory_space<hbm>>) dst(%arg8 : memref<2x128xi32, #tpu.memory_space<vmem>>)
      tpu.yield
    }) : () -> ()
    %dma_start3A_54 = arith.constant 0 : i32
    %dma_start3A_55 = arith.constant 0 : i32
    %dma_start3A_56 = tpu.memref_slice %arg8[%dma_start3A_54, %dma_start3A_55] : memref<2x128xi32, #tpu.memory_space<vmem>> -> memref<1x128xi32, #tpu.memory_space<vmem>>
    %dma_start3A_57 = tpu.memref_squeeze %dma_start3A_56 : memref<1x128xi32, #tpu.memory_space<vmem>> -> memref<128xi32, #tpu.memory_space<vmem>>
    %dma_start3A_58 = arith.constant 0 : i32
    %dma_start3A_59 = arith.constant 0 : i32
    %dma_start3A_60 = tpu.memref_slice %arg2[%dma_start3A_58, %dma_start3A_59] : memref<10000x128xf32, #tpu.memory_space<hbm>> -> memref<10000x128xf32, #tpu.memory_space<hbm>>
    tpu.enqueue_indirect_dma source(%dma_start3A_60 : memref<10000x128xf32, #tpu.memory_space<hbm>>) target(%arg9 : memref<128x128xf32, #tpu.memory_space<vmem>>) offsets(%dma_start3A_57 : memref<128xi32, #tpu.memory_space<vmem>>) semaphore(%arg12 : memref<!tpu.dma_semaphore, #tpu.memory_space<semaphore_mem>>)
    %mul3A_61 = arith.constant 5 : i32
    %mul3A_62 = arith.muli %arg1, %mul3A_61 : i32
    %add3A_63 = arith.constant 0 : i32
    %add3A_64 = arith.addi %mul3A_62, %add3A_63 : i32
    %mul3A_65 = arith.constant 128 : i32
    %mul3A_66 = arith.muli %add3A_64, %mul3A_65 : i32
    %dma_wait3A = arith.constant 0 : i32
    %dma_wait3A_67 = tpu.memref_slice %arg10[%mul3A_66, %dma_wait3A] : memref<10240x128xf32, #tpu.memory_space<vmem_shared>> -> memref<128x128xf32, #tpu.memory_space<vmem_shared>>
    %dma_wait3A_68 = arith.constant 0 : i32
    %dma_wait3A_69 = tpu.memref_slice %arg10[%mul3A_66, %dma_wait3A_68] : memref<10240x128xf32, #tpu.memory_space<vmem_shared>> -> memref<128x128xf32, #tpu.memory_space<vmem_shared>>
    tpu.wait_dma2 semaphore(%arg11 : memref<!tpu.dma_semaphore, #tpu.memory_space<semaphore_mem>>) src(%arg7 : memref<128x128xf32, #tpu.memory_space<vmem>>) dst(%dma_wait3A_69 : memref<128x128xf32, #tpu.memory_space<vmem_shared>>)
    %mul3A_70 = arith.constant 5 : i32
    %mul3A_71 = arith.muli %arg1, %mul3A_70 : i32
    %add3A_72 = arith.constant 1 : i32
    %add3A_73 = arith.addi %mul3A_71, %add3A_72 : i32
    %mul3A_74 = arith.constant 128 : i32
    %mul3A_75 = arith.muli %add3A_73, %mul3A_74 : i32
    %dma_wait3A_76 = arith.constant 0 : i32
    %dma_wait3A_77 = tpu.memref_slice %arg10[%mul3A_75, %dma_wait3A_76] : memref<10240x128xf32, #tpu.memory_space<vmem_shared>> -> memref<128x128xf32, #tpu.memory_space<vmem_shared>>
    %dma_wait3A_78 = arith.constant 0 : i32
    %dma_wait3A_79 = tpu.memref_slice %arg10[%mul3A_75, %dma_wait3A_78] : memref<10240x128xf32, #tpu.memory_space<vmem_shared>> -> memref<128x128xf32, #tpu.memory_space<vmem_shared>>
    tpu.wait_dma2 semaphore(%arg11 : memref<!tpu.dma_semaphore, #tpu.memory_space<semaphore_mem>>) src(%arg7 : memref<128x128xf32, #tpu.memory_space<vmem>>) dst(%dma_wait3A_79 : memref<128x128xf32, #tpu.memory_space<vmem_shared>>)
    %mul3A_80 = arith.constant 5 : i32
    %mul3A_81 = arith.muli %arg1, %mul3A_80 : i32
    %add3A_82 = arith.constant 2 : i32
    %add3A_83 = arith.addi %mul3A_81, %add3A_82 : i32
    %mul3A_84 = arith.constant 128 : i32
    %mul3A_85 = arith.muli %add3A_83, %mul3A_84 : i32
    %dma_wait3A_86 = arith.constant 0 : i32
    %dma_wait3A_87 = tpu.memref_slice %arg10[%mul3A_85, %dma_wait3A_86] : memref<10240x128xf32, #tpu.memory_space<vmem_shared>> -> memref<128x128xf32, #tpu.memory_space<vmem_shared>>
    %dma_wait3A_88 = arith.constant 0 : i32
    %dma_wait3A_89 = tpu.memref_slice %arg10[%mul3A_85, %dma_wait3A_88] : memref<10240x128xf32, #tpu.memory_space<vmem_shared>> -> memref<128x128xf32, #tpu.memory_space<vmem_shared>>
    tpu.wait_dma2 semaphore(%arg11 : memref<!tpu.dma_semaphore, #tpu.memory_space<semaphore_mem>>) src(%arg7 : memref<128x128xf32, #tpu.memory_space<vmem>>) dst(%dma_wait3A_89 : memref<128x128xf32, #tpu.memory_space<vmem_shared>>)
    %mul3A_90 = arith.constant 5 : i32
    %mul3A_91 = arith.muli %arg1, %mul3A_90 : i32
    %add3A_92 = arith.constant 3 : i32
    %add3A_93 = arith.addi %mul3A_91, %add3A_92 : i32
    %mul3A_94 = arith.constant 128 : i32
    %mul3A_95 = arith.muli %add3A_93, %mul3A_94 : i32
    %dma_wait3A_96 = arith.constant 0 : i32
    %dma_wait3A_97 = tpu.memref_slice %arg10[%mul3A_95, %dma_wait3A_96] : memref<10240x128xf32, #tpu.memory_space<vmem_shared>> -> memref<128x128xf32, #tpu.memory_space<vmem_shared>>
    %dma_wait3A_98 = arith.constant 0 : i32
    %dma_wait3A_99 = tpu.memref_slice %arg10[%mul3A_95, %dma_wait3A_98] : memref<10240x128xf32, #tpu.memory_space<vmem_shared>> -> memref<128x128xf32, #tpu.memory_space<vmem_shared>>
    tpu.wait_dma2 semaphore(%arg11 : memref<!tpu.dma_semaphore, #tpu.memory_space<semaphore_mem>>) src(%arg7 : memref<128x128xf32, #tpu.memory_space<vmem>>) dst(%dma_wait3A_99 : memref<128x128xf32, #tpu.memory_space<vmem_shared>>)
    %mul3A_100 = arith.constant 5 : i32
    %mul3A_101 = arith.muli %arg1, %mul3A_100 : i32
    %add3A_102 = arith.constant 4 : i32
    %add3A_103 = arith.addi %mul3A_101, %add3A_102 : i32
    %mul3A_104 = arith.constant 128 : i32
    %mul3A_105 = arith.muli %add3A_103, %mul3A_104 : i32
    %dma_wait3A_106 = arith.constant 0 : i32
    %dma_wait3A_107 = tpu.memref_slice %arg10[%mul3A_105, %dma_wait3A_106] : memref<10240x128xf32, #tpu.memory_space<vmem_shared>> -> memref<128x128xf32, #tpu.memory_space<vmem_shared>>
    %dma_wait3A_108 = arith.constant 0 : i32
    %dma_wait3A_109 = tpu.memref_slice %arg10[%mul3A_105, %dma_wait3A_108] : memref<10240x128xf32, #tpu.memory_space<vmem_shared>> -> memref<128x128xf32, #tpu.memory_space<vmem_shared>>
    tpu.wait_dma2 semaphore(%arg11 : memref<!tpu.dma_semaphore, #tpu.memory_space<semaphore_mem>>) src(%arg7 : memref<128x128xf32, #tpu.memory_space<vmem>>) dst(%dma_wait3A_109 : memref<128x128xf32, #tpu.memory_space<vmem_shared>>)
    %barrier3A = arith.constant 0 : index
    tpu.barrier barrier_id(%barrier3A)
    %scan3A = arith.constant 0 : i32
    %scan3A_110 = arith.constant 0 : i32
    %scan3A_111 = arith.constant 38 : i32
    %scan3A_112 = arith.addi %scan3A_110, %scan3A_111 : i32
    %scan3A_113 = arith.constant 1 : i32
    scf.for %scan3A_294 = %scan3A_110 to %scan3A_112 step %scan3A_113  : i32 {
      %mul3A_295 = arith.constant 2 : i32
      %mul3A_296 = arith.muli %mul3A_295, %scan3A_294 : i32
      %add3A_297 = arith.constant 1 : i32
      %add3A_298 = arith.addi %mul3A_296, %add3A_297 : i32
      %mul3A_299 = arith.constant 32 : i32
      %mul3A_300 = arith.muli %add3A_298, %mul3A_299 : i32
      %add3A_301 = arith.addi %add3A, %mul3A_300 : i32
      %mul3A_302 = arith.constant 128 : i32
      %mul3A_303 = arith.muli %add3A_301, %mul3A_302 : i32
      "tpu.region"() ({
        %run_scoped3A_341 = tpu.sem_alloc : memref<!tpu.dma_semaphore, #tpu.memory_space<semaphore_mem>>
        %dma_start3A_342 = arith.constant 0 : i32
        %dma_start3A_343 = tpu.memref_slice %arg3[%dma_start3A_342, %mul3A_303] : memref<2x320000xi32, #tpu.memory_space<hbm>> -> memref<2x128xi32, #tpu.memory_space<hbm>>
        %dma_start3A_344 = arith.constant 0 : i32
        %dma_start3A_345 = tpu.memref_slice %arg3[%dma_start3A_344, %mul3A_303] : memref<2x320000xi32, #tpu.memory_space<hbm>> -> memref<2x128xi32, #tpu.memory_space<hbm>>
        tpu.enqueue_dma source(%dma_start3A_345 : memref<2x128xi32, #tpu.memory_space<hbm>>) target(%arg6 : memref<2x128xi32, #tpu.memory_space<vmem>>) target_semaphore(%run_scoped3A_341 : memref<!tpu.dma_semaphore, #tpu.memory_space<semaphore_mem>>)
        %dma_wait3A_346 = arith.constant 0 : i32
        %dma_wait3A_347 = tpu.memref_slice %arg3[%dma_wait3A_346, %mul3A_303] : memref<2x320000xi32, #tpu.memory_space<hbm>> -> memref<2x128xi32, #tpu.memory_space<hbm>>
        %dma_wait3A_348 = arith.constant 0 : i32
        %dma_wait3A_349 = tpu.memref_slice %arg3[%dma_wait3A_348, %mul3A_303] : memref<2x320000xi32, #tpu.memory_space<hbm>> -> memref<2x128xi32, #tpu.memory_space<hbm>>
        tpu.wait_dma2 semaphore(%run_scoped3A_341 : memref<!tpu.dma_semaphore, #tpu.memory_space<semaphore_mem>>) src(%dma_wait3A_349 : memref<2x128xi32, #tpu.memory_space<hbm>>) dst(%arg6 : memref<2x128xi32, #tpu.memory_space<vmem>>)
        tpu.yield
      }) : () -> ()
      %dma_start3A_304 = arith.constant 0 : i32
      %dma_start3A_305 = arith.constant 0 : i32
      %dma_start3A_306 = tpu.memref_slice %arg6[%dma_start3A_304, %dma_start3A_305] : memref<2x128xi32, #tpu.memory_space<vmem>> -> memref<1x128xi32, #tpu.memory_space<vmem>>
      %dma_start3A_307 = tpu.memref_squeeze %dma_start3A_306 : memref<1x128xi32, #tpu.memory_space<vmem>> -> memref<128xi32, #tpu.memory_space<vmem>>
      %dma_start3A_308 = arith.constant 0 : i32
      %dma_start3A_309 = arith.constant 0 : i32
      %dma_start3A_310 = tpu.memref_slice %arg2[%dma_start3A_308, %dma_start3A_309] : memref<10000x128xf32, #tpu.memory_space<hbm>> -> memref<10000x128xf32, #tpu.memory_space<hbm>>
      tpu.enqueue_indirect_dma source(%dma_start3A_310 : memref<10000x128xf32, #tpu.memory_space<hbm>>) target(%arg7 : memref<128x128xf32, #tpu.memory_space<vmem>>) offsets(%dma_start3A_307 : memref<128xi32, #tpu.memory_space<vmem>>) semaphore(%arg11 : memref<!tpu.dma_semaphore, #tpu.memory_space<semaphore_mem>>)
      %dma_wait3A_311 = arith.constant 0 : i32
      %dma_wait3A_312 = arith.constant 0 : i32
      %dma_wait3A_313 = tpu.memref_slice %arg8[%dma_wait3A_311, %dma_wait3A_312] : memref<2x128xi32, #tpu.memory_space<vmem>> -> memref<1x128xi32, #tpu.memory_space<vmem>>
      %dma_wait3A_314 = tpu.memref_squeeze %dma_wait3A_313 : memref<1x128xi32, #tpu.memory_space<vmem>> -> memref<128xi32, #tpu.memory_space<vmem>>
      %dma_wait3A_315 = arith.constant 0 : i32
      %dma_wait3A_316 = arith.constant 0 : i32
      %dma_wait3A_317 = tpu.memref_slice %arg2[%dma_wait3A_315, %dma_wait3A_316] : memref<10000x128xf32, #tpu.memory_space<hbm>> -> memref<10000x128xf32, #tpu.memory_space<hbm>>
      tpu.wait_indirect_dma semaphore(%arg12 : memref<!tpu.dma_semaphore, #tpu.memory_space<semaphore_mem>>) src(%dma_wait3A_317 : memref<10000x128xf32, #tpu.memory_space<hbm>>) dst(%arg9 : memref<128x128xf32, #tpu.memory_space<vmem>>)
      %run_scoped3A_318 = arith.constant 1 : i32
      "tpu.region"() ({
        %run_scoped3A_341 = tpu.sem_alloc : memref<!tpu.dma_semaphore, #tpu.memory_space<semaphore_mem>>
        %dma_start3A_342 = arith.constant 0 : i32
        %dma_start3A_343 = tpu.memref_slice %arg8[%run_scoped3A_318, %dma_start3A_342] : memref<2x128xi32, #tpu.memory_space<vmem>> -> memref<1x128xi32, #tpu.memory_space<vmem>>
        %dma_start3A_344 = tpu.memref_squeeze %dma_start3A_343 : memref<1x128xi32, #tpu.memory_space<vmem>> -> memref<128xi32, #tpu.memory_space<vmem>>
        %dma_start3A_345 = arith.constant 0 : i32
        %dma_start3A_346 = arith.constant 0 : i32
        %dma_start3A_347 = tpu.memref_slice %arg10[%dma_start3A_345, %dma_start3A_346] : memref<10240x128xf32, #tpu.memory_space<vmem_shared>> -> memref<10240x128xf32, #tpu.memory_space<vmem_shared>>
        tpu.enqueue_indirect_dma source(%arg9 : memref<128x128xf32, #tpu.memory_space<vmem>>) target(%dma_start3A_347 : memref<10240x128xf32, #tpu.memory_space<vmem_shared>>) offsets(%dma_start3A_344 : memref<128xi32, #tpu.memory_space<vmem>>) semaphore(%run_scoped3A_341 : memref<!tpu.dma_semaphore, #tpu.memory_space<semaphore_mem>>) {add = true}
        %dma_wait3A_348 = arith.constant 0 : i32
        %dma_wait3A_349 = tpu.memref_slice %arg8[%run_scoped3A_318, %dma_wait3A_348] : memref<2x128xi32, #tpu.memory_space<vmem>> -> memref<1x128xi32, #tpu.memory_space<vmem>>
        %dma_wait3A_350 = tpu.memref_squeeze %dma_wait3A_349 : memref<1x128xi32, #tpu.memory_space<vmem>> -> memref<128xi32, #tpu.memory_space<vmem>>
        %dma_wait3A_351 = arith.constant 0 : i32
        %dma_wait3A_352 = arith.constant 0 : i32
        %dma_wait3A_353 = tpu.memref_slice %arg10[%dma_wait3A_351, %dma_wait3A_352] : memref<10240x128xf32, #tpu.memory_space<vmem_shared>> -> memref<10240x128xf32, #tpu.memory_space<vmem_shared>>
        tpu.wait_indirect_dma semaphore(%run_scoped3A_341 : memref<!tpu.dma_semaphore, #tpu.memory_space<semaphore_mem>>) src(%arg9 : memref<128x128xf32, #tpu.memory_space<vmem>>) dst(%dma_wait3A_353 : memref<10240x128xf32, #tpu.memory_space<vmem_shared>>)
        tpu.yield
      }) : () -> ()
      %add3A_319 = arith.constant 2 : i32
      %add3A_320 = arith.addi %mul3A_296, %add3A_319 : i32
      %mul3A_321 = arith.constant 32 : i32
      %mul3A_322 = arith.muli %add3A_320, %mul3A_321 : i32
      %add3A_323 = arith.addi %add3A, %mul3A_322 : i32
      %mul3A_324 = arith.constant 128 : i32
      %mul3A_325 = arith.muli %add3A_323, %mul3A_324 : i32
      "tpu.region"() ({
        %run_scoped3A_341 = tpu.sem_alloc : memref<!tpu.dma_semaphore, #tpu.memory_space<semaphore_mem>>
        %dma_start3A_342 = arith.constant 0 : i32
        %dma_start3A_343 = tpu.memref_slice %arg3[%dma_start3A_342, %mul3A_325] : memref<2x320000xi32, #tpu.memory_space<hbm>> -> memref<2x128xi32, #tpu.memory_space<hbm>>
        %dma_start3A_344 = arith.constant 0 : i32
        %dma_start3A_345 = tpu.memref_slice %arg3[%dma_start3A_344, %mul3A_325] : memref<2x320000xi32, #tpu.memory_space<hbm>> -> memref<2x128xi32, #tpu.memory_space<hbm>>
        tpu.enqueue_dma source(%dma_start3A_345 : memref<2x128xi32, #tpu.memory_space<hbm>>) target(%arg8 : memref<2x128xi32, #tpu.memory_space<vmem>>) target_semaphore(%run_scoped3A_341 : memref<!tpu.dma_semaphore, #tpu.memory_space<semaphore_mem>>)
        %dma_wait3A_346 = arith.constant 0 : i32
        %dma_wait3A_347 = tpu.memref_slice %arg3[%dma_wait3A_346, %mul3A_325] : memref<2x320000xi32, #tpu.memory_space<hbm>> -> memref<2x128xi32, #tpu.memory_space<hbm>>
        %dma_wait3A_348 = arith.constant 0 : i32
        %dma_wait3A_349 = tpu.memref_slice %arg3[%dma_wait3A_348, %mul3A_325] : memref<2x320000xi32, #tpu.memory_space<hbm>> -> memref<2x128xi32, #tpu.memory_space<hbm>>
        tpu.wait_dma2 semaphore(%run_scoped3A_341 : memref<!tpu.dma_semaphore, #tpu.memory_space<semaphore_mem>>) src(%dma_wait3A_349 : memref<2x128xi32, #tpu.memory_space<hbm>>) dst(%arg8 : memref<2x128xi32, #tpu.memory_space<vmem>>)
        tpu.yield
      }) : () -> ()
      %dma_start3A_326 = arith.constant 0 : i32
      %dma_start3A_327 = arith.constant 0 : i32
      %dma_start3A_328 = tpu.memref_slice %arg8[%dma_start3A_326, %dma_start3A_327] : memref<2x128xi32, #tpu.memory_space<vmem>> -> memref<1x128xi32, #tpu.memory_space<vmem>>
      %dma_start3A_329 = tpu.memref_squeeze %dma_start3A_328 : memref<1x128xi32, #tpu.memory_space<vmem>> -> memref<128xi32, #tpu.memory_space<vmem>>
      %dma_start3A_330 = arith.constant 0 : i32
      %dma_start3A_331 = arith.constant 0 : i32
      %dma_start3A_332 = tpu.memref_slice %arg2[%dma_start3A_330, %dma_start3A_331] : memref<10000x128xf32, #tpu.memory_space<hbm>> -> memref<10000x128xf32, #tpu.memory_space<hbm>>
      tpu.enqueue_indirect_dma source(%dma_start3A_332 : memref<10000x128xf32, #tpu.memory_space<hbm>>) target(%arg9 : memref<128x128xf32, #tpu.memory_space<vmem>>) offsets(%dma_start3A_329 : memref<128xi32, #tpu.memory_space<vmem>>) semaphore(%arg12 : memref<!tpu.dma_semaphore, #tpu.memory_space<semaphore_mem>>)
      %dma_wait3A_333 = arith.constant 0 : i32
      %dma_wait3A_334 = arith.constant 0 : i32
      %dma_wait3A_335 = tpu.memref_slice %arg6[%dma_wait3A_333, %dma_wait3A_334] : memref<2x128xi32, #tpu.memory_space<vmem>> -> memref<1x128xi32, #tpu.memory_space<vmem>>
      %dma_wait3A_336 = tpu.memref_squeeze %dma_wait3A_335 : memref<1x128xi32, #tpu.memory_space<vmem>> -> memref<128xi32, #tpu.memory_space<vmem>>
      %dma_wait3A_337 = arith.constant 0 : i32
      %dma_wait3A_338 = arith.constant 0 : i32
      %dma_wait3A_339 = tpu.memref_slice %arg2[%dma_wait3A_337, %dma_wait3A_338] : memref<10000x128xf32, #tpu.memory_space<hbm>> -> memref<10000x128xf32, #tpu.memory_space<hbm>>
      tpu.wait_indirect_dma semaphore(%arg11 : memref<!tpu.dma_semaphore, #tpu.memory_space<semaphore_mem>>) src(%dma_wait3A_339 : memref<10000x128xf32, #tpu.memory_space<hbm>>) dst(%arg7 : memref<128x128xf32, #tpu.memory_space<vmem>>)
      %run_scoped3A_340 = arith.constant 1 : i32
      "tpu.region"() ({
        %run_scoped3A_341 = tpu.sem_alloc : memref<!tpu.dma_semaphore, #tpu.memory_space<semaphore_mem>>
        %dma_start3A_342 = arith.constant 0 : i32
        %dma_start3A_343 = tpu.memref_slice %arg6[%run_scoped3A_340, %dma_start3A_342] : memref<2x128xi32, #tpu.memory_space<vmem>> -> memref<1x128xi32, #tpu.memory_space<vmem>>
        %dma_start3A_344 = tpu.memref_squeeze %dma_start3A_343 : memref<1x128xi32, #tpu.memory_space<vmem>> -> memref<128xi32, #tpu.memory_space<vmem>>
        %dma_start3A_345 = arith.constant 0 : i32
        %dma_start3A_346 = arith.constant 0 : i32
        %dma_start3A_347 = tpu.memref_slice %arg10[%dma_start3A_345, %dma_start3A_346] : memref<10240x128xf32, #tpu.memory_space<vmem_shared>> -> memref<10240x128xf32, #tpu.memory_space<vmem_shared>>
        tpu.enqueue_indirect_dma source(%arg7 : memref<128x128xf32, #tpu.memory_space<vmem>>) target(%dma_start3A_347 : memref<10240x128xf32, #tpu.memory_space<vmem_shared>>) offsets(%dma_start3A_344 : memref<128xi32, #tpu.memory_space<vmem>>) semaphore(%run_scoped3A_341 : memref<!tpu.dma_semaphore, #tpu.memory_space<semaphore_mem>>) {add = true}
        %dma_wait3A_348 = arith.constant 0 : i32
        %dma_wait3A_349 = tpu.memref_slice %arg6[%run_scoped3A_340, %dma_wait3A_348] : memref<2x128xi32, #tpu.memory_space<vmem>> -> memref<1x128xi32, #tpu.memory_space<vmem>>
        %dma_wait3A_350 = tpu.memref_squeeze %dma_wait3A_349 : memref<1x128xi32, #tpu.memory_space<vmem>> -> memref<128xi32, #tpu.memory_space<vmem>>
        %dma_wait3A_351 = arith.constant 0 : i32
        %dma_wait3A_352 = arith.constant 0 : i32
        %dma_wait3A_353 = tpu.memref_slice %arg10[%dma_wait3A_351, %dma_wait3A_352] : memref<10240x128xf32, #tpu.memory_space<vmem_shared>> -> memref<10240x128xf32, #tpu.memory_space<vmem_shared>>
        tpu.wait_indirect_dma semaphore(%run_scoped3A_341 : memref<!tpu.dma_semaphore, #tpu.memory_space<semaphore_mem>>) src(%arg7 : memref<128x128xf32, #tpu.memory_space<vmem>>) dst(%dma_wait3A_353 : memref<10240x128xf32, #tpu.memory_space<vmem_shared>>)
        tpu.yield
      }) : () -> ()
    }
    %scan3A_114 = arith.constant 38 : i32
    %add3A_115 = arith.constant 2464 : i32
    %add3A_116 = arith.addi %add3A, %add3A_115 : i32
    %mul3A_117 = arith.constant 128 : i32
    %mul3A_118 = arith.muli %add3A_116, %mul3A_117 : i32
    "tpu.region"() ({
      %run_scoped3A_294 = tpu.sem_alloc : memref<!tpu.dma_semaphore, #tpu.memory_space<semaphore_mem>>
      %dma_start3A_295 = arith.constant 0 : i32
      %dma_start3A_296 = tpu.memref_slice %arg3[%dma_start3A_295, %mul3A_118] : memref<2x320000xi32, #tpu.memory_space<hbm>> -> memref<2x128xi32, #tpu.memory_space<hbm>>
      %dma_start3A_297 = arith.constant 0 : i32
      %dma_start3A_298 = tpu.memref_slice %arg3[%dma_start3A_297, %mul3A_118] : memref<2x320000xi32, #tpu.memory_space<hbm>> -> memref<2x128xi32, #tpu.memory_space<hbm>>
      tpu.enqueue_dma source(%dma_start3A_298 : memref<2x128xi32, #tpu.memory_space<hbm>>) target(%arg6 : memref<2x128xi32, #tpu.memory_space<vmem>>) target_semaphore(%run_scoped3A_294 : memref<!tpu.dma_semaphore, #tpu.memory_space<semaphore_mem>>)
      %dma_wait3A_299 = arith.constant 0 : i32
      %dma_wait3A_300 = tpu.memref_slice %arg3[%dma_wait3A_299, %mul3A_118] : memref<2x320000xi32, #tpu.memory_space<hbm>> -> memref<2x128xi32, #tpu.memory_space<hbm>>
      %dma_wait3A_301 = arith.constant 0 : i32
      %dma_wait3A_302 = tpu.memref_slice %arg3[%dma_wait3A_301, %mul3A_118] : memref<2x320000xi32, #tpu.memory_space<hbm>> -> memref<2x128xi32, #tpu.memory_space<hbm>>
      tpu.wait_dma2 semaphore(%run_scoped3A_294 : memref<!tpu.dma_semaphore, #tpu.memory_space<semaphore_mem>>) src(%dma_wait3A_302 : memref<2x128xi32, #tpu.memory_space<hbm>>) dst(%arg6 : memref<2x128xi32, #tpu.memory_space<vmem>>)
      tpu.yield
    }) : () -> ()
    %dma_start3A_119 = arith.constant 0 : i32
    %dma_start3A_120 = arith.constant 0 : i32
    %dma_start3A_121 = tpu.memref_slice %arg6[%dma_start3A_119, %dma_start3A_120] : memref<2x128xi32, #tpu.memory_space<vmem>> -> memref<1x128xi32, #tpu.memory_space<vmem>>
    %dma_start3A_122 = tpu.memref_squeeze %dma_start3A_121 : memref<1x128xi32, #tpu.memory_space<vmem>> -> memref<128xi32, #tpu.memory_space<vmem>>
    %dma_start3A_123 = arith.constant 0 : i32
    %dma_start3A_124 = arith.constant 0 : i32
    %dma_start3A_125 = tpu.memref_slice %arg2[%dma_start3A_123, %dma_start3A_124] : memref<10000x128xf32, #tpu.memory_space<hbm>> -> memref<10000x128xf32, #tpu.memory_space<hbm>>
    tpu.enqueue_indirect_dma source(%dma_start3A_125 : memref<10000x128xf32, #tpu.memory_space<hbm>>) target(%arg7 : memref<128x128xf32, #tpu.memory_space<vmem>>) offsets(%dma_start3A_122 : memref<128xi32, #tpu.memory_space<vmem>>) semaphore(%arg11 : memref<!tpu.dma_semaphore, #tpu.memory_space<semaphore_mem>>)
    %dma_wait3A_126 = arith.constant 0 : i32
    %dma_wait3A_127 = arith.constant 0 : i32
    %dma_wait3A_128 = tpu.memref_slice %arg8[%dma_wait3A_126, %dma_wait3A_127] : memref<2x128xi32, #tpu.memory_space<vmem>> -> memref<1x128xi32, #tpu.memory_space<vmem>>
    %dma_wait3A_129 = tpu.memref_squeeze %dma_wait3A_128 : memref<1x128xi32, #tpu.memory_space<vmem>> -> memref<128xi32, #tpu.memory_space<vmem>>
    %dma_wait3A_130 = arith.constant 0 : i32
    %dma_wait3A_131 = arith.constant 0 : i32
    %dma_wait3A_132 = tpu.memref_slice %arg2[%dma_wait3A_130, %dma_wait3A_131] : memref<10000x128xf32, #tpu.memory_space<hbm>> -> memref<10000x128xf32, #tpu.memory_space<hbm>>
    tpu.wait_indirect_dma semaphore(%arg12 : memref<!tpu.dma_semaphore, #tpu.memory_space<semaphore_mem>>) src(%dma_wait3A_132 : memref<10000x128xf32, #tpu.memory_space<hbm>>) dst(%arg9 : memref<128x128xf32, #tpu.memory_space<vmem>>)
    %run_scoped3A = arith.constant 1 : i32
    "tpu.region"() ({
      %run_scoped3A_294 = tpu.sem_alloc : memref<!tpu.dma_semaphore, #tpu.memory_space<semaphore_mem>>
      %dma_start3A_295 = arith.constant 0 : i32
      %dma_start3A_296 = tpu.memref_slice %arg8[%run_scoped3A, %dma_start3A_295] : memref<2x128xi32, #tpu.memory_space<vmem>> -> memref<1x128xi32, #tpu.memory_space<vmem>>
      %dma_start3A_297 = tpu.memref_squeeze %dma_start3A_296 : memref<1x128xi32, #tpu.memory_space<vmem>> -> memref<128xi32, #tpu.memory_space<vmem>>
      %dma_start3A_298 = arith.constant 0 : i32
      %dma_start3A_299 = arith.constant 0 : i32
      %dma_start3A_300 = tpu.memref_slice %arg10[%dma_start3A_298, %dma_start3A_299] : memref<10240x128xf32, #tpu.memory_space<vmem_shared>> -> memref<10240x128xf32, #tpu.memory_space<vmem_shared>>
      tpu.enqueue_indirect_dma source(%arg9 : memref<128x128xf32, #tpu.memory_space<vmem>>) target(%dma_start3A_300 : memref<10240x128xf32, #tpu.memory_space<vmem_shared>>) offsets(%dma_start3A_297 : memref<128xi32, #tpu.memory_space<vmem>>) semaphore(%run_scoped3A_294 : memref<!tpu.dma_semaphore, #tpu.memory_space<semaphore_mem>>) {add = true}
      %dma_wait3A_301 = arith.constant 0 : i32
      %dma_wait3A_302 = tpu.memref_slice %arg8[%run_scoped3A, %dma_wait3A_301] : memref<2x128xi32, #tpu.memory_space<vmem>> -> memref<1x128xi32, #tpu.memory_space<vmem>>
      %dma_wait3A_303 = tpu.memref_squeeze %dma_wait3A_302 : memref<1x128xi32, #tpu.memory_space<vmem>> -> memref<128xi32, #tpu.memory_space<vmem>>
      %dma_wait3A_304 = arith.constant 0 : i32
      %dma_wait3A_305 = arith.constant 0 : i32
      %dma_wait3A_306 = tpu.memref_slice %arg10[%dma_wait3A_304, %dma_wait3A_305] : memref<10240x128xf32, #tpu.memory_space<vmem_shared>> -> memref<10240x128xf32, #tpu.memory_space<vmem_shared>>
      tpu.wait_indirect_dma semaphore(%run_scoped3A_294 : memref<!tpu.dma_semaphore, #tpu.memory_space<semaphore_mem>>) src(%arg9 : memref<128x128xf32, #tpu.memory_space<vmem>>) dst(%dma_wait3A_306 : memref<10240x128xf32, #tpu.memory_space<vmem_shared>>)
      tpu.yield
    }) : () -> ()
    %dma_wait3A_133 = arith.constant 0 : i32
    %dma_wait3A_134 = arith.constant 0 : i32
    %dma_wait3A_135 = tpu.memref_slice %arg6[%dma_wait3A_133, %dma_wait3A_134] : memref<2x128xi32, #tpu.memory_space<vmem>> -> memref<1x128xi32, #tpu.memory_space<vmem>>
    %dma_wait3A_136 = tpu.memref_squeeze %dma_wait3A_135 : memref<1x128xi32, #tpu.memory_space<vmem>> -> memref<128xi32, #tpu.memory_space<vmem>>
    %dma_wait3A_137 = arith.constant 0 : i32
    %dma_wait3A_138 = arith.constant 0 : i32
    %dma_wait3A_139 = tpu.memref_slice %arg2[%dma_wait3A_137, %dma_wait3A_138] : memref<10000x128xf32, #tpu.memory_space<hbm>> -> memref<10000x128xf32, #tpu.memory_space<hbm>>
    tpu.wait_indirect_dma semaphore(%arg11 : memref<!tpu.dma_semaphore, #tpu.memory_space<semaphore_mem>>) src(%dma_wait3A_139 : memref<10000x128xf32, #tpu.memory_space<hbm>>) dst(%arg7 : memref<128x128xf32, #tpu.memory_space<vmem>>)
    %run_scoped3A_140 = arith.constant 1 : i32
    "tpu.region"() ({
      %run_scoped3A_294 = tpu.sem_alloc : memref<!tpu.dma_semaphore, #tpu.memory_space<semaphore_mem>>
      %dma_start3A_295 = arith.constant 0 : i32
      %dma_start3A_296 = tpu.memref_slice %arg6[%run_scoped3A_140, %dma_start3A_295] : memref<2x128xi32, #tpu.memory_space<vmem>> -> memref<1x128xi32, #tpu.memory_space<vmem>>
      %dma_start3A_297 = tpu.memref_squeeze %dma_start3A_296 : memref<1x128xi32, #tpu.memory_space<vmem>> -> memref<128xi32, #tpu.memory_space<vmem>>
      %dma_start3A_298 = arith.constant 0 : i32
      %dma_start3A_299 = arith.constant 0 : i32
      %dma_start3A_300 = tpu.memref_slice %arg10[%dma_start3A_298, %dma_start3A_299] : memref<10240x128xf32, #tpu.memory_space<vmem_shared>> -> memref<10240x128xf32, #tpu.memory_space<vmem_shared>>
      tpu.enqueue_indirect_dma source(%arg7 : memref<128x128xf32, #tpu.memory_space<vmem>>) target(%dma_start3A_300 : memref<10240x128xf32, #tpu.memory_space<vmem_shared>>) offsets(%dma_start3A_297 : memref<128xi32, #tpu.memory_space<vmem>>) semaphore(%run_scoped3A_294 : memref<!tpu.dma_semaphore, #tpu.memory_space<semaphore_mem>>) {add = true}
      %dma_wait3A_301 = arith.constant 0 : i32
      %dma_wait3A_302 = tpu.memref_slice %arg6[%run_scoped3A_140, %dma_wait3A_301] : memref<2x128xi32, #tpu.memory_space<vmem>> -> memref<1x128xi32, #tpu.memory_space<vmem>>
      %dma_wait3A_303 = tpu.memref_squeeze %dma_wait3A_302 : memref<1x128xi32, #tpu.memory_space<vmem>> -> memref<128xi32, #tpu.memory_space<vmem>>
      %dma_wait3A_304 = arith.constant 0 : i32
      %dma_wait3A_305 = arith.constant 0 : i32
      %dma_wait3A_306 = tpu.memref_slice %arg10[%dma_wait3A_304, %dma_wait3A_305] : memref<10240x128xf32, #tpu.memory_space<vmem_shared>> -> memref<10240x128xf32, #tpu.memory_space<vmem_shared>>
      tpu.wait_indirect_dma semaphore(%run_scoped3A_294 : memref<!tpu.dma_semaphore, #tpu.memory_space<semaphore_mem>>) src(%arg7 : memref<128x128xf32, #tpu.memory_space<vmem>>) dst(%dma_wait3A_306 : memref<10240x128xf32, #tpu.memory_space<vmem_shared>>)
      tpu.yield
    }) : () -> ()
    %lt3A = arith.constant 4 : i32
    %lt3A_141 = arith.cmpi slt, %add3A, %lt3A : i32
    %convert_element_type3A = arith.extui %lt3A_141 : i1 to i32
    %cond3A = arith.constant 0 : i32
    %cond3A_142 = arith.cmpi ne, %convert_element_type3A, %cond3A : i32
    scf.if %cond3A_142 {
      %add3A_294 = arith.constant 2496 : i32
      %add3A_295 = arith.addi %add3A_294, %add3A : i32
      %mul3A_296 = arith.constant 128 : i32
      %mul3A_297 = arith.muli %add3A_295, %mul3A_296 : i32
      "tpu.region"() ({
        %run_scoped3A_313 = tpu.sem_alloc : memref<!tpu.dma_semaphore, #tpu.memory_space<semaphore_mem>>
        %dma_start3A_314 = arith.constant 0 : i32
        %dma_start3A_315 = tpu.memref_slice %arg3[%dma_start3A_314, %mul3A_297] : memref<2x320000xi32, #tpu.memory_space<hbm>> -> memref<2x128xi32, #tpu.memory_space<hbm>>
        %dma_start3A_316 = arith.constant 0 : i32
        %dma_start3A_317 = tpu.memref_slice %arg3[%dma_start3A_316, %mul3A_297] : memref<2x320000xi32, #tpu.memory_space<hbm>> -> memref<2x128xi32, #tpu.memory_space<hbm>>
        tpu.enqueue_dma source(%dma_start3A_317 : memref<2x128xi32, #tpu.memory_space<hbm>>) target(%arg6 : memref<2x128xi32, #tpu.memory_space<vmem>>) target_semaphore(%run_scoped3A_313 : memref<!tpu.dma_semaphore, #tpu.memory_space<semaphore_mem>>)
        %dma_wait3A_318 = arith.constant 0 : i32
        %dma_wait3A_319 = tpu.memref_slice %arg3[%dma_wait3A_318, %mul3A_297] : memref<2x320000xi32, #tpu.memory_space<hbm>> -> memref<2x128xi32, #tpu.memory_space<hbm>>
        %dma_wait3A_320 = arith.constant 0 : i32
        %dma_wait3A_321 = tpu.memref_slice %arg3[%dma_wait3A_320, %mul3A_297] : memref<2x320000xi32, #tpu.memory_space<hbm>> -> memref<2x128xi32, #tpu.memory_space<hbm>>
        tpu.wait_dma2 semaphore(%run_scoped3A_313 : memref<!tpu.dma_semaphore, #tpu.memory_space<semaphore_mem>>) src(%dma_wait3A_321 : memref<2x128xi32, #tpu.memory_space<hbm>>) dst(%arg6 : memref<2x128xi32, #tpu.memory_space<vmem>>)
        tpu.yield
      }) : () -> ()
      %dma_start3A_298 = arith.constant 0 : i32
      %dma_start3A_299 = arith.constant 0 : i32
      %dma_start3A_300 = tpu.memref_slice %arg6[%dma_start3A_298, %dma_start3A_299] : memref<2x128xi32, #tpu.memory_space<vmem>> -> memref<1x128xi32, #tpu.memory_space<vmem>>
      %dma_start3A_301 = tpu.memref_squeeze %dma_start3A_300 : memref<1x128xi32, #tpu.memory_space<vmem>> -> memref<128xi32, #tpu.memory_space<vmem>>
      %dma_start3A_302 = arith.constant 0 : i32
      %dma_start3A_303 = arith.constant 0 : i32
      %dma_start3A_304 = tpu.memref_slice %arg2[%dma_start3A_302, %dma_start3A_303] : memref<10000x128xf32, #tpu.memory_space<hbm>> -> memref<10000x128xf32, #tpu.memory_space<hbm>>
      tpu.enqueue_indirect_dma source(%dma_start3A_304 : memref<10000x128xf32, #tpu.memory_space<hbm>>) target(%arg7 : memref<128x128xf32, #tpu.memory_space<vmem>>) offsets(%dma_start3A_301 : memref<128xi32, #tpu.memory_space<vmem>>) semaphore(%arg11 : memref<!tpu.dma_semaphore, #tpu.memory_space<semaphore_mem>>)
      %dma_wait3A_305 = arith.constant 0 : i32
      %dma_wait3A_306 = arith.constant 0 : i32
      %dma_wait3A_307 = tpu.memref_slice %arg6[%dma_wait3A_305, %dma_wait3A_306] : memref<2x128xi32, #tpu.memory_space<vmem>> -> memref<1x128xi32, #tpu.memory_space<vmem>>
      %dma_wait3A_308 = tpu.memref_squeeze %dma_wait3A_307 : memref<1x128xi32, #tpu.memory_space<vmem>> -> memref<128xi32, #tpu.memory_space<vmem>>
      %dma_wait3A_309 = arith.constant 0 : i32
      %dma_wait3A_310 = arith.constant 0 : i32
      %dma_wait3A_311 = tpu.memref_slice %arg2[%dma_wait3A_309, %dma_wait3A_310] : memref<10000x128xf32, #tpu.memory_space<hbm>> -> memref<10000x128xf32, #tpu.memory_space<hbm>>
      tpu.wait_indirect_dma semaphore(%arg11 : memref<!tpu.dma_semaphore, #tpu.memory_space<semaphore_mem>>) src(%dma_wait3A_311 : memref<10000x128xf32, #tpu.memory_space<hbm>>) dst(%arg7 : memref<128x128xf32, #tpu.memory_space<vmem>>)
      %run_scoped3A_312 = arith.constant 1 : i32
      "tpu.region"() ({
        %run_scoped3A_313 = tpu.sem_alloc : memref<!tpu.dma_semaphore, #tpu.memory_space<semaphore_mem>>
        %dma_start3A_314 = arith.constant 0 : i32
        %dma_start3A_315 = tpu.memref_slice %arg6[%run_scoped3A_312, %dma_start3A_314] : memref<2x128xi32, #tpu.memory_space<vmem>> -> memref<1x128xi32, #tpu.memory_space<vmem>>
        %dma_start3A_316 = tpu.memref_squeeze %dma_start3A_315 : memref<1x128xi32, #tpu.memory_space<vmem>> -> memref<128xi32, #tpu.memory_space<vmem>>
        %dma_start3A_317 = arith.constant 0 : i32
        %dma_start3A_318 = arith.constant 0 : i32
        %dma_start3A_319 = tpu.memref_slice %arg10[%dma_start3A_317, %dma_start3A_318] : memref<10240x128xf32, #tpu.memory_space<vmem_shared>> -> memref<10240x128xf32, #tpu.memory_space<vmem_shared>>
        tpu.enqueue_indirect_dma source(%arg7 : memref<128x128xf32, #tpu.memory_space<vmem>>) target(%dma_start3A_319 : memref<10240x128xf32, #tpu.memory_space<vmem_shared>>) offsets(%dma_start3A_316 : memref<128xi32, #tpu.memory_space<vmem>>) semaphore(%run_scoped3A_313 : memref<!tpu.dma_semaphore, #tpu.memory_space<semaphore_mem>>) {add = true}
        %dma_wait3A_320 = arith.constant 0 : i32
        %dma_wait3A_321 = tpu.memref_slice %arg6[%run_scoped3A_312, %dma_wait3A_320] : memref<2x128xi32, #tpu.memory_space<vmem>> -> memref<1x128xi32, #tpu.memory_space<vmem>>
        %dma_wait3A_322 = tpu.memref_squeeze %dma_wait3A_321 : memref<1x128xi32, #tpu.memory_space<vmem>> -> memref<128xi32, #tpu.memory_space<vmem>>
        %dma_wait3A_323 = arith.constant 0 : i32
        %dma_wait3A_324 = arith.constant 0 : i32
        %dma_wait3A_325 = tpu.memref_slice %arg10[%dma_wait3A_323, %dma_wait3A_324] : memref<10240x128xf32, #tpu.memory_space<vmem_shared>> -> memref<10240x128xf32, #tpu.memory_space<vmem_shared>>
        tpu.wait_indirect_dma semaphore(%run_scoped3A_313 : memref<!tpu.dma_semaphore, #tpu.memory_space<semaphore_mem>>) src(%arg7 : memref<128x128xf32, #tpu.memory_space<vmem>>) dst(%dma_wait3A_325 : memref<10240x128xf32, #tpu.memory_space<vmem_shared>>)
        tpu.yield
      }) : () -> ()
    } else {
    }
    %barrier3A_143 = arith.constant 0 : index
    tpu.barrier barrier_id(%barrier3A_143)
    %mul3A_144 = arith.constant 5 : i32
    %mul3A_145 = arith.muli %arg1, %mul3A_144 : i32
    %add3A_146 = arith.constant 0 : i32
    %add3A_147 = arith.addi %mul3A_145, %add3A_146 : i32
    %mul3A_148 = arith.constant 128 : i32
    %mul3A_149 = arith.muli %add3A_147, %mul3A_148 : i32
    %mul3A_150 = arith.constant 10240 : i32
    %mul3A_151 = arith.muli %arg0, %mul3A_150 : i32
    %mul3A_152 = arith.constant 128 : i32
    %mul3A_153 = arith.muli %add3A_147, %mul3A_152 : i32
    %add3A_154 = arith.addi %mul3A_151, %mul3A_153 : i32
    %dma_start3A_155 = arith.constant 0 : i32
    %dma_start3A_156 = tpu.memref_slice %arg5[%add3A_154, %dma_start3A_155] : memref<20480x128xf32, #tpu.memory_space<hbm>> -> memref<128x128xf32, #tpu.memory_space<hbm>>
    %dma_start3A_157 = arith.constant 0 : i32
    %dma_start3A_158 = tpu.memref_slice %arg10[%mul3A_149, %dma_start3A_157] : memref<10240x128xf32, #tpu.memory_space<vmem_shared>> -> memref<128x128xf32, #tpu.memory_space<vmem_shared>>
    tpu.enqueue_dma source(%dma_start3A_158 : memref<128x128xf32, #tpu.memory_space<vmem_shared>>) target(%dma_start3A_156 : memref<128x128xf32, #tpu.memory_space<hbm>>) target_semaphore(%arg11 : memref<!tpu.dma_semaphore, #tpu.memory_space<semaphore_mem>>)
    %mul3A_159 = arith.constant 5 : i32
    %mul3A_160 = arith.muli %arg1, %mul3A_159 : i32
    %add3A_161 = arith.constant 1 : i32
    %add3A_162 = arith.addi %mul3A_160, %add3A_161 : i32
    %mul3A_163 = arith.constant 128 : i32
    %mul3A_164 = arith.muli %add3A_162, %mul3A_163 : i32
    %mul3A_165 = arith.constant 10240 : i32
    %mul3A_166 = arith.muli %arg0, %mul3A_165 : i32
    %mul3A_167 = arith.constant 128 : i32
    %mul3A_168 = arith.muli %add3A_162, %mul3A_167 : i32
    %add3A_169 = arith.addi %mul3A_166, %mul3A_168 : i32
    %dma_start3A_170 = arith.constant 0 : i32
    %dma_start3A_171 = tpu.memref_slice %arg5[%add3A_169, %dma_start3A_170] : memref<20480x128xf32, #tpu.memory_space<hbm>> -> memref<128x128xf32, #tpu.memory_space<hbm>>
    %dma_start3A_172 = arith.constant 0 : i32
    %dma_start3A_173 = tpu.memref_slice %arg10[%mul3A_164, %dma_start3A_172] : memref<10240x128xf32, #tpu.memory_space<vmem_shared>> -> memref<128x128xf32, #tpu.memory_space<vmem_shared>>
    tpu.enqueue_dma source(%dma_start3A_173 : memref<128x128xf32, #tpu.memory_space<vmem_shared>>) target(%dma_start3A_171 : memref<128x128xf32, #tpu.memory_space<hbm>>) target_semaphore(%arg11 : memref<!tpu.dma_semaphore, #tpu.memory_space<semaphore_mem>>)
    %mul3A_174 = arith.constant 5 : i32
    %mul3A_175 = arith.muli %arg1, %mul3A_174 : i32
    %add3A_176 = arith.constant 2 : i32
    %add3A_177 = arith.addi %mul3A_175, %add3A_176 : i32
    %mul3A_178 = arith.constant 128 : i32
    %mul3A_179 = arith.muli %add3A_177, %mul3A_178 : i32
    %mul3A_180 = arith.constant 10240 : i32
    %mul3A_181 = arith.muli %arg0, %mul3A_180 : i32
    %mul3A_182 = arith.constant 128 : i32
    %mul3A_183 = arith.muli %add3A_177, %mul3A_182 : i32
    %add3A_184 = arith.addi %mul3A_181, %mul3A_183 : i32
    %dma_start3A_185 = arith.constant 0 : i32
    %dma_start3A_186 = tpu.memref_slice %arg5[%add3A_184, %dma_start3A_185] : memref<20480x128xf32, #tpu.memory_space<hbm>> -> memref<128x128xf32, #tpu.memory_space<hbm>>
    %dma_start3A_187 = arith.constant 0 : i32
    %dma_start3A_188 = tpu.memref_slice %arg10[%mul3A_179, %dma_start3A_187] : memref<10240x128xf32, #tpu.memory_space<vmem_shared>> -> memref<128x128xf32, #tpu.memory_space<vmem_shared>>
    tpu.enqueue_dma source(%dma_start3A_188 : memref<128x128xf32, #tpu.memory_space<vmem_shared>>) target(%dma_start3A_186 : memref<128x128xf32, #tpu.memory_space<hbm>>) target_semaphore(%arg11 : memref<!tpu.dma_semaphore, #tpu.memory_space<semaphore_mem>>)
    %mul3A_189 = arith.constant 5 : i32
    %mul3A_190 = arith.muli %arg1, %mul3A_189 : i32
    %add3A_191 = arith.constant 3 : i32
    %add3A_192 = arith.addi %mul3A_190, %add3A_191 : i32
    %mul3A_193 = arith.constant 128 : i32
    %mul3A_194 = arith.muli %add3A_192, %mul3A_193 : i32
    %mul3A_195 = arith.constant 10240 : i32
    %mul3A_196 = arith.muli %arg0, %mul3A_195 : i32
    %mul3A_197 = arith.constant 128 : i32
    %mul3A_198 = arith.muli %add3A_192, %mul3A_197 : i32
    %add3A_199 = arith.addi %mul3A_196, %mul3A_198 : i32
    %dma_start3A_200 = arith.constant 0 : i32
    %dma_start3A_201 = tpu.memref_slice %arg5[%add3A_199, %dma_start3A_200] : memref<20480x128xf32, #tpu.memory_space<hbm>> -> memref<128x128xf32, #tpu.memory_space<hbm>>
    %dma_start3A_202 = arith.constant 0 : i32
    %dma_start3A_203 = tpu.memref_slice %arg10[%mul3A_194, %dma_start3A_202] : memref<10240x128xf32, #tpu.memory_space<vmem_shared>> -> memref<128x128xf32, #tpu.memory_space<vmem_shared>>
    tpu.enqueue_dma source(%dma_start3A_203 : memref<128x128xf32, #tpu.memory_space<vmem_shared>>) target(%dma_start3A_201 : memref<128x128xf32, #tpu.memory_space<hbm>>) target_semaphore(%arg11 : memref<!tpu.dma_semaphore, #tpu.memory_space<semaphore_mem>>)
    %mul3A_204 = arith.constant 5 : i32
    %mul3A_205 = arith.muli %arg1, %mul3A_204 : i32
    %add3A_206 = arith.constant 4 : i32
    %add3A_207 = arith.addi %mul3A_205, %add3A_206 : i32
    %mul3A_208 = arith.constant 128 : i32
    %mul3A_209 = arith.muli %add3A_207, %mul3A_208 : i32
    %mul3A_210 = arith.constant 10240 : i32
    %mul3A_211 = arith.muli %arg0, %mul3A_210 : i32
    %mul3A_212 = arith.constant 128 : i32
    %mul3A_213 = arith.muli %add3A_207, %mul3A_212 : i32
    %add3A_214 = arith.addi %mul3A_211, %mul3A_213 : i32
    %dma_start3A_215 = arith.constant 0 : i32
    %dma_start3A_216 = tpu.memref_slice %arg5[%add3A_214, %dma_start3A_215] : memref<20480x128xf32, #tpu.memory_space<hbm>> -> memref<128x128xf32, #tpu.memory_space<hbm>>
    %dma_start3A_217 = arith.constant 0 : i32
    %dma_start3A_218 = tpu.memref_slice %arg10[%mul3A_209, %dma_start3A_217] : memref<10240x128xf32, #tpu.memory_space<vmem_shared>> -> memref<128x128xf32, #tpu.memory_space<vmem_shared>>
    tpu.enqueue_dma source(%dma_start3A_218 : memref<128x128xf32, #tpu.memory_space<vmem_shared>>) target(%dma_start3A_216 : memref<128x128xf32, #tpu.memory_space<hbm>>) target_semaphore(%arg11 : memref<!tpu.dma_semaphore, #tpu.memory_space<semaphore_mem>>)
    %mul3A_219 = arith.constant 5 : i32
    %mul3A_220 = arith.muli %arg1, %mul3A_219 : i32
    %add3A_221 = arith.constant 0 : i32
    %add3A_222 = arith.addi %mul3A_220, %add3A_221 : i32
    %mul3A_223 = arith.constant 128 : i32
    %mul3A_224 = arith.muli %add3A_222, %mul3A_223 : i32
    %mul3A_225 = arith.constant 10240 : i32
    %mul3A_226 = arith.muli %arg0, %mul3A_225 : i32
    %mul3A_227 = arith.constant 128 : i32
    %mul3A_228 = arith.muli %add3A_222, %mul3A_227 : i32
    %add3A_229 = arith.addi %mul3A_226, %mul3A_228 : i32
    %dma_wait3A_230 = arith.constant 0 : i32
    %dma_wait3A_231 = tpu.memref_slice %arg5[%add3A_229, %dma_wait3A_230] : memref<20480x128xf32, #tpu.memory_space<hbm>> -> memref<128x128xf32, #tpu.memory_space<hbm>>
    %dma_wait3A_232 = arith.constant 0 : i32
    %dma_wait3A_233 = tpu.memref_slice %arg10[%mul3A_224, %dma_wait3A_232] : memref<10240x128xf32, #tpu.memory_space<vmem_shared>> -> memref<128x128xf32, #tpu.memory_space<vmem_shared>>
    tpu.wait_dma2 semaphore(%arg11 : memref<!tpu.dma_semaphore, #tpu.memory_space<semaphore_mem>>) src(%dma_wait3A_233 : memref<128x128xf32, #tpu.memory_space<vmem_shared>>) dst(%dma_wait3A_231 : memref<128x128xf32, #tpu.memory_space<hbm>>)
    %mul3A_234 = arith.constant 5 : i32
    %mul3A_235 = arith.muli %arg1, %mul3A_234 : i32
    %add3A_236 = arith.constant 1 : i32
    %add3A_237 = arith.addi %mul3A_235, %add3A_236 : i32
    %mul3A_238 = arith.constant 128 : i32
    %mul3A_239 = arith.muli %add3A_237, %mul3A_238 : i32
    %mul3A_240 = arith.constant 10240 : i32
    %mul3A_241 = arith.muli %arg0, %mul3A_240 : i32
    %mul3A_242 = arith.constant 128 : i32
    %mul3A_243 = arith.muli %add3A_237, %mul3A_242 : i32
    %add3A_244 = arith.addi %mul3A_241, %mul3A_243 : i32
    %dma_wait3A_245 = arith.constant 0 : i32
    %dma_wait3A_246 = tpu.memref_slice %arg5[%add3A_244, %dma_wait3A_245] : memref<20480x128xf32, #tpu.memory_space<hbm>> -> memref<128x128xf32, #tpu.memory_space<hbm>>
    %dma_wait3A_247 = arith.constant 0 : i32
    %dma_wait3A_248 = tpu.memref_slice %arg10[%mul3A_239, %dma_wait3A_247] : memref<10240x128xf32, #tpu.memory_space<vmem_shared>> -> memref<128x128xf32, #tpu.memory_space<vmem_shared>>
    tpu.wait_dma2 semaphore(%arg11 : memref<!tpu.dma_semaphore, #tpu.memory_space<semaphore_mem>>) src(%dma_wait3A_248 : memref<128x128xf32, #tpu.memory_space<vmem_shared>>) dst(%dma_wait3A_246 : memref<128x128xf32, #tpu.memory_space<hbm>>)
    %mul3A_249 = arith.constant 5 : i32
    %mul3A_250 = arith.muli %arg1, %mul3A_249 : i32
    %add3A_251 = arith.constant 2 : i32
    %add3A_252 = arith.addi %mul3A_250, %add3A_251 : i32
    %mul3A_253 = arith.constant 128 : i32
    %mul3A_254 = arith.muli %add3A_252, %mul3A_253 : i32
    %mul3A_255 = arith.constant 10240 : i32
    %mul3A_256 = arith.muli %arg0, %mul3A_255 : i32
    %mul3A_257 = arith.constant 128 : i32
    %mul3A_258 = arith.muli %add3A_252, %mul3A_257 : i32
    %add3A_259 = arith.addi %mul3A_256, %mul3A_258 : i32
    %dma_wait3A_260 = arith.constant 0 : i32
    %dma_wait3A_261 = tpu.memref_slice %arg5[%add3A_259, %dma_wait3A_260] : memref<20480x128xf32, #tpu.memory_space<hbm>> -> memref<128x128xf32, #tpu.memory_space<hbm>>
    %dma_wait3A_262 = arith.constant 0 : i32
    %dma_wait3A_263 = tpu.memref_slice %arg10[%mul3A_254, %dma_wait3A_262] : memref<10240x128xf32, #tpu.memory_space<vmem_shared>> -> memref<128x128xf32, #tpu.memory_space<vmem_shared>>
    tpu.wait_dma2 semaphore(%arg11 : memref<!tpu.dma_semaphore, #tpu.memory_space<semaphore_mem>>) src(%dma_wait3A_263 : memref<128x128xf32, #tpu.memory_space<vmem_shared>>) dst(%dma_wait3A_261 : memref<128x128xf32, #tpu.memory_space<hbm>>)
    %mul3A_264 = arith.constant 5 : i32
    %mul3A_265 = arith.muli %arg1, %mul3A_264 : i32
    %add3A_266 = arith.constant 3 : i32
    %add3A_267 = arith.addi %mul3A_265, %add3A_266 : i32
    %mul3A_268 = arith.constant 128 : i32
    %mul3A_269 = arith.muli %add3A_267, %mul3A_268 : i32
    %mul3A_270 = arith.constant 10240 : i32
    %mul3A_271 = arith.muli %arg0, %mul3A_270 : i32
    %mul3A_272 = arith.constant 128 : i32
    %mul3A_273 = arith.muli %add3A_267, %mul3A_272 : i32
    %add3A_274 = arith.addi %mul3A_271, %mul3A_273 : i32
    %dma_wait3A_275 = arith.constant 0 : i32
    %dma_wait3A_276 = tpu.memref_slice %arg5[%add3A_274, %dma_wait3A_275] : memref<20480x128xf32, #tpu.memory_space<hbm>> -> memref<128x128xf32, #tpu.memory_space<hbm>>
    %dma_wait3A_277 = arith.constant 0 : i32
    %dma_wait3A_278 = tpu.memref_slice %arg10[%mul3A_269, %dma_wait3A_277] : memref<10240x128xf32, #tpu.memory_space<vmem_shared>> -> memref<128x128xf32, #tpu.memory_space<vmem_shared>>
    tpu.wait_dma2 semaphore(%arg11 : memref<!tpu.dma_semaphore, #tpu.memory_space<semaphore_mem>>) src(%dma_wait3A_278 : memref<128x128xf32, #tpu.memory_space<vmem_shared>>) dst(%dma_wait3A_276 : memref<128x128xf32, #tpu.memory_space<hbm>>)
    %mul3A_279 = arith.constant 5 : i32
    %mul3A_280 = arith.muli %arg1, %mul3A_279 : i32
    %add3A_281 = arith.constant 4 : i32
    %add3A_282 = arith.addi %mul3A_280, %add3A_281 : i32
    %mul3A_283 = arith.constant 128 : i32
    %mul3A_284 = arith.muli %add3A_282, %mul3A_283 : i32
    %mul3A_285 = arith.constant 10240 : i32
    %mul3A_286 = arith.muli %arg0, %mul3A_285 : i32
    %mul3A_287 = arith.constant 128 : i32
    %mul3A_288 = arith.muli %add3A_282, %mul3A_287 : i32
    %add3A_289 = arith.addi %mul3A_286, %mul3A_288 : i32
    %dma_wait3A_290 = arith.constant 0 : i32
    %dma_wait3A_291 = tpu.memref_slice %arg5[%add3A_289, %dma_wait3A_290] : memref<20480x128xf32, #tpu.memory_space<hbm>> -> memref<128x128xf32, #tpu.memory_space<hbm>>
    %dma_wait3A_292 = arith.constant 0 : i32
    %dma_wait3A_293 = tpu.memref_slice %arg10[%mul3A_284, %dma_wait3A_292] : memref<10240x128xf32, #tpu.memory_space<vmem_shared>> -> memref<128x128xf32, #tpu.memory_space<vmem_shared>>
    tpu.wait_dma2 semaphore(%arg11 : memref<!tpu.dma_semaphore, #tpu.memory_space<semaphore_mem>>) src(%dma_wait3A_293 : memref<128x128xf32, #tpu.memory_space<vmem_shared>>) dst(%dma_wait3A_291 : memref<128x128xf32, #tpu.memory_space<hbm>>)
    return
  }
}

#map = affine_map<(d0, d1) -> (0, 0)>
module attributes {stable_mosaic.version = 14 : i64} {
  func.func @_sc_agg_body(%arg0: i32, %arg1: i32, %arg2: memref<10000x128xf32, #tpu.memory_space<hbm>>, %arg3: memref<2x320000xi32, #tpu.memory_space<hbm>>, %arg4: memref<128x128xf32, #tpu.memory_space<hbm>>, %arg5: memref<20480x128xf32, #tpu.memory_space<hbm>>, %arg6: memref<2x128xi32, #tpu.memory_space<vmem>>, %arg7: memref<128x128xf32, #tpu.memory_space<vmem>>, %arg8: memref<2x128xi32, #tpu.memory_space<vmem>>, %arg9: memref<128x128xf32, #tpu.memory_space<vmem>>, %arg10: memref<10240x128xf32, #tpu.memory_space<vmem_shared>>, %arg11: memref<!tpu.dma_semaphore, #tpu.memory_space<semaphore_mem>>, %arg12: memref<!tpu.dma_semaphore, #tpu.memory_space<semaphore_mem>>) attributes {dimension_semantics = [#tpu.dimension_semantics<core_parallel>, #tpu.dimension_semantics<subcore_parallel>], iteration_bounds = array<i64: 2, 16>, scalar_prefetch = 0 : i64, scratch_operands = 7 : i64, tpu.core_type = #tpu.core_type<sc_vector_subcore>, window_params = [{transform_indices = #map}, {transform_indices = #map}, {transform_indices = #map}, {transform_indices = #map}]} {
    %mul3A = arith.constant 16 : i32
    %mul3A_0 = arith.muli %arg0, %mul3A : i32
    %add3A = arith.addi %mul3A_0, %arg1 : i32
    "tpu.region"() ({
      %run_scoped3A_294 = tpu.sem_alloc : memref<!tpu.dma_semaphore, #tpu.memory_space<semaphore_mem>>
      tpu.enqueue_dma source(%arg4 : memref<128x128xf32, #tpu.memory_space<hbm>>) target(%arg7 : memref<128x128xf32, #tpu.memory_space<vmem>>) target_semaphore(%run_scoped3A_294 : memref<!tpu.dma_semaphore, #tpu.memory_space<semaphore_mem>>)
      tpu.wait_dma2 semaphore(%run_scoped3A_294 : memref<!tpu.dma_semaphore, #tpu.memory_space<semaphore_mem>>) src(%arg4 : memref<128x128xf32, #tpu.memory_space<hbm>>) dst(%arg7 : memref<128x128xf32, #tpu.memory_space<vmem>>)
      tpu.yield
    }) : () -> ()
    %mul3A_1 = arith.constant 5 : i32
    %mul3A_2 = arith.muli %arg1, %mul3A_1 : i32
    %add3A_3 = arith.constant 0 : i32
    %add3A_4 = arith.addi %mul3A_2, %add3A_3 : i32
    %mul3A_5 = arith.constant 128 : i32
    %mul3A_6 = arith.muli %add3A_4, %mul3A_5 : i32
    %dma_start3A = arith.constant 0 : i32
    %dma_start3A_7 = tpu.memref_slice %arg10[%mul3A_6, %dma_start3A] : memref<10240x128xf32, #tpu.memory_space<vmem_shared>> -> memref<128x128xf32, #tpu.memory_space<vmem_shared>>
    %dma_start3A_8 = arith.constant 0 : i32
    %dma_start3A_9 = tpu.memref_slice %arg10[%mul3A_6, %dma_start3A_8] : memref<10240x128xf32, #tpu.memory_space<vmem_shared>> -> memref<128x128xf32, #tpu.memory_space<vmem_shared>>
    tpu.enqueue_dma source(%arg7 : memref<128x128xf32, #tpu.memory_space<vmem>>) target(%dma_start3A_9 : memref<128x128xf32, #tpu.memory_space<vmem_shared>>) target_semaphore(%arg11 : memref<!tpu.dma_semaphore, #tpu.memory_space<semaphore_mem>>)
    %mul3A_10 = arith.constant 5 : i32
    %mul3A_11 = arith.muli %arg1, %mul3A_10 : i32
    %add3A_12 = arith.constant 1 : i32
    %add3A_13 = arith.addi %mul3A_11, %add3A_12 : i32
    %mul3A_14 = arith.constant 128 : i32
    %mul3A_15 = arith.muli %add3A_13, %mul3A_14 : i32
    %dma_start3A_16 = arith.constant 0 : i32
    %dma_start3A_17 = tpu.memref_slice %arg10[%mul3A_15, %dma_start3A_16] : memref<10240x128xf32, #tpu.memory_space<vmem_shared>> -> memref<128x128xf32, #tpu.memory_space<vmem_shared>>
    %dma_start3A_18 = arith.constant 0 : i32
    %dma_start3A_19 = tpu.memref_slice %arg10[%mul3A_15, %dma_start3A_18] : memref<10240x128xf32, #tpu.memory_space<vmem_shared>> -> memref<128x128xf32, #tpu.memory_space<vmem_shared>>
    tpu.enqueue_dma source(%arg7 : memref<128x128xf32, #tpu.memory_space<vmem>>) target(%dma_start3A_19 : memref<128x128xf32, #tpu.memory_space<vmem_shared>>) target_semaphore(%arg11 : memref<!tpu.dma_semaphore, #tpu.memory_space<semaphore_mem>>)
    %mul3A_20 = arith.constant 5 : i32
    %mul3A_21 = arith.muli %arg1, %mul3A_20 : i32
    %add3A_22 = arith.constant 2 : i32
    %add3A_23 = arith.addi %mul3A_21, %add3A_22 : i32
    %mul3A_24 = arith.constant 128 : i32
    %mul3A_25 = arith.muli %add3A_23, %mul3A_24 : i32
    %dma_start3A_26 = arith.constant 0 : i32
    %dma_start3A_27 = tpu.memref_slice %arg10[%mul3A_25, %dma_start3A_26] : memref<10240x128xf32, #tpu.memory_space<vmem_shared>> -> memref<128x128xf32, #tpu.memory_space<vmem_shared>>
    %dma_start3A_28 = arith.constant 0 : i32
    %dma_start3A_29 = tpu.memref_slice %arg10[%mul3A_25, %dma_start3A_28] : memref<10240x128xf32, #tpu.memory_space<vmem_shared>> -> memref<128x128xf32, #tpu.memory_space<vmem_shared>>
    tpu.enqueue_dma source(%arg7 : memref<128x128xf32, #tpu.memory_space<vmem>>) target(%dma_start3A_29 : memref<128x128xf32, #tpu.memory_space<vmem_shared>>) target_semaphore(%arg11 : memref<!tpu.dma_semaphore, #tpu.memory_space<semaphore_mem>>)
    %mul3A_30 = arith.constant 5 : i32
    %mul3A_31 = arith.muli %arg1, %mul3A_30 : i32
    %add3A_32 = arith.constant 3 : i32
    %add3A_33 = arith.addi %mul3A_31, %add3A_32 : i32
    %mul3A_34 = arith.constant 128 : i32
    %mul3A_35 = arith.muli %add3A_33, %mul3A_34 : i32
    %dma_start3A_36 = arith.constant 0 : i32
    %dma_start3A_37 = tpu.memref_slice %arg10[%mul3A_35, %dma_start3A_36] : memref<10240x128xf32, #tpu.memory_space<vmem_shared>> -> memref<128x128xf32, #tpu.memory_space<vmem_shared>>
    %dma_start3A_38 = arith.constant 0 : i32
    %dma_start3A_39 = tpu.memref_slice %arg10[%mul3A_35, %dma_start3A_38] : memref<10240x128xf32, #tpu.memory_space<vmem_shared>> -> memref<128x128xf32, #tpu.memory_space<vmem_shared>>
    tpu.enqueue_dma source(%arg7 : memref<128x128xf32, #tpu.memory_space<vmem>>) target(%dma_start3A_39 : memref<128x128xf32, #tpu.memory_space<vmem_shared>>) target_semaphore(%arg11 : memref<!tpu.dma_semaphore, #tpu.memory_space<semaphore_mem>>)
    %mul3A_40 = arith.constant 5 : i32
    %mul3A_41 = arith.muli %arg1, %mul3A_40 : i32
    %add3A_42 = arith.constant 4 : i32
    %add3A_43 = arith.addi %mul3A_41, %add3A_42 : i32
    %mul3A_44 = arith.constant 128 : i32
    %mul3A_45 = arith.muli %add3A_43, %mul3A_44 : i32
    %dma_start3A_46 = arith.constant 0 : i32
    %dma_start3A_47 = tpu.memref_slice %arg10[%mul3A_45, %dma_start3A_46] : memref<10240x128xf32, #tpu.memory_space<vmem_shared>> -> memref<128x128xf32, #tpu.memory_space<vmem_shared>>
    %dma_start3A_48 = arith.constant 0 : i32
    %dma_start3A_49 = tpu.memref_slice %arg10[%mul3A_45, %dma_start3A_48] : memref<10240x128xf32, #tpu.memory_space<vmem_shared>> -> memref<128x128xf32, #tpu.memory_space<vmem_shared>>
    tpu.enqueue_dma source(%arg7 : memref<128x128xf32, #tpu.memory_space<vmem>>) target(%dma_start3A_49 : memref<128x128xf32, #tpu.memory_space<vmem_shared>>) target_semaphore(%arg11 : memref<!tpu.dma_semaphore, #tpu.memory_space<semaphore_mem>>)
    %add3A_50 = arith.constant 0 : i32
    %add3A_51 = arith.addi %add3A, %add3A_50 : i32
    %mul3A_52 = arith.constant 128 : i32
    %mul3A_53 = arith.muli %add3A_51, %mul3A_52 : i32
    "tpu.region"() ({
      %run_scoped3A_294 = tpu.sem_alloc : memref<!tpu.dma_semaphore, #tpu.memory_space<semaphore_mem>>
      %dma_start3A_295 = arith.constant 0 : i32
      %dma_start3A_296 = tpu.memref_slice %arg3[%dma_start3A_295, %mul3A_53] : memref<2x320000xi32, #tpu.memory_space<hbm>> -> memref<2x128xi32, #tpu.memory_space<hbm>>
      %dma_start3A_297 = arith.constant 0 : i32
      %dma_start3A_298 = tpu.memref_slice %arg3[%dma_start3A_297, %mul3A_53] : memref<2x320000xi32, #tpu.memory_space<hbm>> -> memref<2x128xi32, #tpu.memory_space<hbm>>
      tpu.enqueue_dma source(%dma_start3A_298 : memref<2x128xi32, #tpu.memory_space<hbm>>) target(%arg8 : memref<2x128xi32, #tpu.memory_space<vmem>>) target_semaphore(%run_scoped3A_294 : memref<!tpu.dma_semaphore, #tpu.memory_space<semaphore_mem>>)
      %dma_wait3A_299 = arith.constant 0 : i32
      %dma_wait3A_300 = tpu.memref_slice %arg3[%dma_wait3A_299, %mul3A_53] : memref<2x320000xi32, #tpu.memory_space<hbm>> -> memref<2x128xi32, #tpu.memory_space<hbm>>
      %dma_wait3A_301 = arith.constant 0 : i32
      %dma_wait3A_302 = tpu.memref_slice %arg3[%dma_wait3A_301, %mul3A_53] : memref<2x320000xi32, #tpu.memory_space<hbm>> -> memref<2x128xi32, #tpu.memory_space<hbm>>
      tpu.wait_dma2 semaphore(%run_scoped3A_294 : memref<!tpu.dma_semaphore, #tpu.memory_space<semaphore_mem>>) src(%dma_wait3A_302 : memref<2x128xi32, #tpu.memory_space<hbm>>) dst(%arg8 : memref<2x128xi32, #tpu.memory_space<vmem>>)
      tpu.yield
    }) : () -> ()
    %dma_start3A_54 = arith.constant 0 : i32
    %dma_start3A_55 = arith.constant 0 : i32
    %dma_start3A_56 = tpu.memref_slice %arg8[%dma_start3A_54, %dma_start3A_55] : memref<2x128xi32, #tpu.memory_space<vmem>> -> memref<1x128xi32, #tpu.memory_space<vmem>>
    %dma_start3A_57 = tpu.memref_squeeze %dma_start3A_56 : memref<1x128xi32, #tpu.memory_space<vmem>> -> memref<128xi32, #tpu.memory_space<vmem>>
    %dma_start3A_58 = arith.constant 0 : i32
    %dma_start3A_59 = arith.constant 0 : i32
    %dma_start3A_60 = tpu.memref_slice %arg2[%dma_start3A_58, %dma_start3A_59] : memref<10000x128xf32, #tpu.memory_space<hbm>> -> memref<10000x128xf32, #tpu.memory_space<hbm>>
    tpu.enqueue_indirect_dma source(%dma_start3A_60 : memref<10000x128xf32, #tpu.memory_space<hbm>>) target(%arg9 : memref<128x128xf32, #tpu.memory_space<vmem>>) offsets(%dma_start3A_57 : memref<128xi32, #tpu.memory_space<vmem>>) semaphore(%arg12 : memref<!tpu.dma_semaphore, #tpu.memory_space<semaphore_mem>>)
    %mul3A_61 = arith.constant 5 : i32
    %mul3A_62 = arith.muli %arg1, %mul3A_61 : i32
    %add3A_63 = arith.constant 0 : i32
    %add3A_64 = arith.addi %mul3A_62, %add3A_63 : i32
    %mul3A_65 = arith.constant 128 : i32
    %mul3A_66 = arith.muli %add3A_64, %mul3A_65 : i32
    %dma_wait3A = arith.constant 0 : i32
    %dma_wait3A_67 = tpu.memref_slice %arg10[%mul3A_66, %dma_wait3A] : memref<10240x128xf32, #tpu.memory_space<vmem_shared>> -> memref<128x128xf32, #tpu.memory_space<vmem_shared>>
    %dma_wait3A_68 = arith.constant 0 : i32
    %dma_wait3A_69 = tpu.memref_slice %arg10[%mul3A_66, %dma_wait3A_68] : memref<10240x128xf32, #tpu.memory_space<vmem_shared>> -> memref<128x128xf32, #tpu.memory_space<vmem_shared>>
    tpu.wait_dma2 semaphore(%arg11 : memref<!tpu.dma_semaphore, #tpu.memory_space<semaphore_mem>>) src(%arg7 : memref<128x128xf32, #tpu.memory_space<vmem>>) dst(%dma_wait3A_69 : memref<128x128xf32, #tpu.memory_space<vmem_shared>>)
    %mul3A_70 = arith.constant 5 : i32
    %mul3A_71 = arith.muli %arg1, %mul3A_70 : i32
    %add3A_72 = arith.constant 1 : i32
    %add3A_73 = arith.addi %mul3A_71, %add3A_72 : i32
    %mul3A_74 = arith.constant 128 : i32
    %mul3A_75 = arith.muli %add3A_73, %mul3A_74 : i32
    %dma_wait3A_76 = arith.constant 0 : i32
    %dma_wait3A_77 = tpu.memref_slice %arg10[%mul3A_75, %dma_wait3A_76] : memref<10240x128xf32, #tpu.memory_space<vmem_shared>> -> memref<128x128xf32, #tpu.memory_space<vmem_shared>>
    %dma_wait3A_78 = arith.constant 0 : i32
    %dma_wait3A_79 = tpu.memref_slice %arg10[%mul3A_75, %dma_wait3A_78] : memref<10240x128xf32, #tpu.memory_space<vmem_shared>> -> memref<128x128xf32, #tpu.memory_space<vmem_shared>>
    tpu.wait_dma2 semaphore(%arg11 : memref<!tpu.dma_semaphore, #tpu.memory_space<semaphore_mem>>) src(%arg7 : memref<128x128xf32, #tpu.memory_space<vmem>>) dst(%dma_wait3A_79 : memref<128x128xf32, #tpu.memory_space<vmem_shared>>)
    %mul3A_80 = arith.constant 5 : i32
    %mul3A_81 = arith.muli %arg1, %mul3A_80 : i32
    %add3A_82 = arith.constant 2 : i32
    %add3A_83 = arith.addi %mul3A_81, %add3A_82 : i32
    %mul3A_84 = arith.constant 128 : i32
    %mul3A_85 = arith.muli %add3A_83, %mul3A_84 : i32
    %dma_wait3A_86 = arith.constant 0 : i32
    %dma_wait3A_87 = tpu.memref_slice %arg10[%mul3A_85, %dma_wait3A_86] : memref<10240x128xf32, #tpu.memory_space<vmem_shared>> -> memref<128x128xf32, #tpu.memory_space<vmem_shared>>
    %dma_wait3A_88 = arith.constant 0 : i32
    %dma_wait3A_89 = tpu.memref_slice %arg10[%mul3A_85, %dma_wait3A_88] : memref<10240x128xf32, #tpu.memory_space<vmem_shared>> -> memref<128x128xf32, #tpu.memory_space<vmem_shared>>
    tpu.wait_dma2 semaphore(%arg11 : memref<!tpu.dma_semaphore, #tpu.memory_space<semaphore_mem>>) src(%arg7 : memref<128x128xf32, #tpu.memory_space<vmem>>) dst(%dma_wait3A_89 : memref<128x128xf32, #tpu.memory_space<vmem_shared>>)
    %mul3A_90 = arith.constant 5 : i32
    %mul3A_91 = arith.muli %arg1, %mul3A_90 : i32
    %add3A_92 = arith.constant 3 : i32
    %add3A_93 = arith.addi %mul3A_91, %add3A_92 : i32
    %mul3A_94 = arith.constant 128 : i32
    %mul3A_95 = arith.muli %add3A_93, %mul3A_94 : i32
    %dma_wait3A_96 = arith.constant 0 : i32
    %dma_wait3A_97 = tpu.memref_slice %arg10[%mul3A_95, %dma_wait3A_96] : memref<10240x128xf32, #tpu.memory_space<vmem_shared>> -> memref<128x128xf32, #tpu.memory_space<vmem_shared>>
    %dma_wait3A_98 = arith.constant 0 : i32
    %dma_wait3A_99 = tpu.memref_slice %arg10[%mul3A_95, %dma_wait3A_98] : memref<10240x128xf32, #tpu.memory_space<vmem_shared>> -> memref<128x128xf32, #tpu.memory_space<vmem_shared>>
    tpu.wait_dma2 semaphore(%arg11 : memref<!tpu.dma_semaphore, #tpu.memory_space<semaphore_mem>>) src(%arg7 : memref<128x128xf32, #tpu.memory_space<vmem>>) dst(%dma_wait3A_99 : memref<128x128xf32, #tpu.memory_space<vmem_shared>>)
    %mul3A_100 = arith.constant 5 : i32
    %mul3A_101 = arith.muli %arg1, %mul3A_100 : i32
    %add3A_102 = arith.constant 4 : i32
    %add3A_103 = arith.addi %mul3A_101, %add3A_102 : i32
    %mul3A_104 = arith.constant 128 : i32
    %mul3A_105 = arith.muli %add3A_103, %mul3A_104 : i32
    %dma_wait3A_106 = arith.constant 0 : i32
    %dma_wait3A_107 = tpu.memref_slice %arg10[%mul3A_105, %dma_wait3A_106] : memref<10240x128xf32, #tpu.memory_space<vmem_shared>> -> memref<128x128xf32, #tpu.memory_space<vmem_shared>>
    %dma_wait3A_108 = arith.constant 0 : i32
    %dma_wait3A_109 = tpu.memref_slice %arg10[%mul3A_105, %dma_wait3A_108] : memref<10240x128xf32, #tpu.memory_space<vmem_shared>> -> memref<128x128xf32, #tpu.memory_space<vmem_shared>>
    tpu.wait_dma2 semaphore(%arg11 : memref<!tpu.dma_semaphore, #tpu.memory_space<semaphore_mem>>) src(%arg7 : memref<128x128xf32, #tpu.memory_space<vmem>>) dst(%dma_wait3A_109 : memref<128x128xf32, #tpu.memory_space<vmem_shared>>)
    %barrier3A = arith.constant 0 : index
    tpu.barrier barrier_id(%barrier3A)
    %scan3A = arith.constant 0 : i32
    %scan3A_110 = arith.constant 0 : i32
    %scan3A_111 = arith.constant 38 : i32
    %scan3A_112 = arith.addi %scan3A_110, %scan3A_111 : i32
    %scan3A_113 = arith.constant 1 : i32
    scf.for %scan3A_294 = %scan3A_110 to %scan3A_112 step %scan3A_113  : i32 {
      %mul3A_295 = arith.constant 2 : i32
      %mul3A_296 = arith.muli %mul3A_295, %scan3A_294 : i32
      %add3A_297 = arith.constant 1 : i32
      %add3A_298 = arith.addi %mul3A_296, %add3A_297 : i32
      %mul3A_299 = arith.constant 32 : i32
      %mul3A_300 = arith.muli %add3A_298, %mul3A_299 : i32
      %add3A_301 = arith.addi %add3A, %mul3A_300 : i32
      %mul3A_302 = arith.constant 128 : i32
      %mul3A_303 = arith.muli %add3A_301, %mul3A_302 : i32
      "tpu.region"() ({
        %run_scoped3A_341 = tpu.sem_alloc : memref<!tpu.dma_semaphore, #tpu.memory_space<semaphore_mem>>
        %dma_start3A_342 = arith.constant 0 : i32
        %dma_start3A_343 = tpu.memref_slice %arg3[%dma_start3A_342, %mul3A_303] : memref<2x320000xi32, #tpu.memory_space<hbm>> -> memref<2x128xi32, #tpu.memory_space<hbm>>
        %dma_start3A_344 = arith.constant 0 : i32
        %dma_start3A_345 = tpu.memref_slice %arg3[%dma_start3A_344, %mul3A_303] : memref<2x320000xi32, #tpu.memory_space<hbm>> -> memref<2x128xi32, #tpu.memory_space<hbm>>
        tpu.enqueue_dma source(%dma_start3A_345 : memref<2x128xi32, #tpu.memory_space<hbm>>) target(%arg6 : memref<2x128xi32, #tpu.memory_space<vmem>>) target_semaphore(%run_scoped3A_341 : memref<!tpu.dma_semaphore, #tpu.memory_space<semaphore_mem>>)
        %dma_wait3A_346 = arith.constant 0 : i32
        %dma_wait3A_347 = tpu.memref_slice %arg3[%dma_wait3A_346, %mul3A_303] : memref<2x320000xi32, #tpu.memory_space<hbm>> -> memref<2x128xi32, #tpu.memory_space<hbm>>
        %dma_wait3A_348 = arith.constant 0 : i32
        %dma_wait3A_349 = tpu.memref_slice %arg3[%dma_wait3A_348, %mul3A_303] : memref<2x320000xi32, #tpu.memory_space<hbm>> -> memref<2x128xi32, #tpu.memory_space<hbm>>
        tpu.wait_dma2 semaphore(%run_scoped3A_341 : memref<!tpu.dma_semaphore, #tpu.memory_space<semaphore_mem>>) src(%dma_wait3A_349 : memref<2x128xi32, #tpu.memory_space<hbm>>) dst(%arg6 : memref<2x128xi32, #tpu.memory_space<vmem>>)
        tpu.yield
      }) : () -> ()
      %dma_start3A_304 = arith.constant 0 : i32
      %dma_start3A_305 = arith.constant 0 : i32
      %dma_start3A_306 = tpu.memref_slice %arg6[%dma_start3A_304, %dma_start3A_305] : memref<2x128xi32, #tpu.memory_space<vmem>> -> memref<1x128xi32, #tpu.memory_space<vmem>>
      %dma_start3A_307 = tpu.memref_squeeze %dma_start3A_306 : memref<1x128xi32, #tpu.memory_space<vmem>> -> memref<128xi32, #tpu.memory_space<vmem>>
      %dma_start3A_308 = arith.constant 0 : i32
      %dma_start3A_309 = arith.constant 0 : i32
      %dma_start3A_310 = tpu.memref_slice %arg2[%dma_start3A_308, %dma_start3A_309] : memref<10000x128xf32, #tpu.memory_space<hbm>> -> memref<10000x128xf32, #tpu.memory_space<hbm>>
      tpu.enqueue_indirect_dma source(%dma_start3A_310 : memref<10000x128xf32, #tpu.memory_space<hbm>>) target(%arg7 : memref<128x128xf32, #tpu.memory_space<vmem>>) offsets(%dma_start3A_307 : memref<128xi32, #tpu.memory_space<vmem>>) semaphore(%arg11 : memref<!tpu.dma_semaphore, #tpu.memory_space<semaphore_mem>>)
      %dma_wait3A_311 = arith.constant 0 : i32
      %dma_wait3A_312 = arith.constant 0 : i32
      %dma_wait3A_313 = tpu.memref_slice %arg8[%dma_wait3A_311, %dma_wait3A_312] : memref<2x128xi32, #tpu.memory_space<vmem>> -> memref<1x128xi32, #tpu.memory_space<vmem>>
      %dma_wait3A_314 = tpu.memref_squeeze %dma_wait3A_313 : memref<1x128xi32, #tpu.memory_space<vmem>> -> memref<128xi32, #tpu.memory_space<vmem>>
      %dma_wait3A_315 = arith.constant 0 : i32
      %dma_wait3A_316 = arith.constant 0 : i32
      %dma_wait3A_317 = tpu.memref_slice %arg2[%dma_wait3A_315, %dma_wait3A_316] : memref<10000x128xf32, #tpu.memory_space<hbm>> -> memref<10000x128xf32, #tpu.memory_space<hbm>>
      tpu.wait_indirect_dma semaphore(%arg12 : memref<!tpu.dma_semaphore, #tpu.memory_space<semaphore_mem>>) src(%dma_wait3A_317 : memref<10000x128xf32, #tpu.memory_space<hbm>>) dst(%arg9 : memref<128x128xf32, #tpu.memory_space<vmem>>)
      %run_scoped3A_318 = arith.constant 1 : i32
      "tpu.region"() ({
        %run_scoped3A_341 = tpu.sem_alloc : memref<!tpu.dma_semaphore, #tpu.memory_space<semaphore_mem>>
        %dma_start3A_342 = arith.constant 0 : i32
        %dma_start3A_343 = tpu.memref_slice %arg8[%run_scoped3A_318, %dma_start3A_342] : memref<2x128xi32, #tpu.memory_space<vmem>> -> memref<1x128xi32, #tpu.memory_space<vmem>>
        %dma_start3A_344 = tpu.memref_squeeze %dma_start3A_343 : memref<1x128xi32, #tpu.memory_space<vmem>> -> memref<128xi32, #tpu.memory_space<vmem>>
        %dma_start3A_345 = arith.constant 0 : i32
        %dma_start3A_346 = arith.constant 0 : i32
        %dma_start3A_347 = tpu.memref_slice %arg10[%dma_start3A_345, %dma_start3A_346] : memref<10240x128xf32, #tpu.memory_space<vmem_shared>> -> memref<10240x128xf32, #tpu.memory_space<vmem_shared>>
        tpu.enqueue_indirect_dma source(%arg9 : memref<128x128xf32, #tpu.memory_space<vmem>>) target(%dma_start3A_347 : memref<10240x128xf32, #tpu.memory_space<vmem_shared>>) offsets(%dma_start3A_344 : memref<128xi32, #tpu.memory_space<vmem>>) semaphore(%run_scoped3A_341 : memref<!tpu.dma_semaphore, #tpu.memory_space<semaphore_mem>>) {add = true}
        %dma_wait3A_348 = arith.constant 0 : i32
        %dma_wait3A_349 = tpu.memref_slice %arg8[%run_scoped3A_318, %dma_wait3A_348] : memref<2x128xi32, #tpu.memory_space<vmem>> -> memref<1x128xi32, #tpu.memory_space<vmem>>
        %dma_wait3A_350 = tpu.memref_squeeze %dma_wait3A_349 : memref<1x128xi32, #tpu.memory_space<vmem>> -> memref<128xi32, #tpu.memory_space<vmem>>
        %dma_wait3A_351 = arith.constant 0 : i32
        %dma_wait3A_352 = arith.constant 0 : i32
        %dma_wait3A_353 = tpu.memref_slice %arg10[%dma_wait3A_351, %dma_wait3A_352] : memref<10240x128xf32, #tpu.memory_space<vmem_shared>> -> memref<10240x128xf32, #tpu.memory_space<vmem_shared>>
        tpu.wait_indirect_dma semaphore(%run_scoped3A_341 : memref<!tpu.dma_semaphore, #tpu.memory_space<semaphore_mem>>) src(%arg9 : memref<128x128xf32, #tpu.memory_space<vmem>>) dst(%dma_wait3A_353 : memref<10240x128xf32, #tpu.memory_space<vmem_shared>>)
        tpu.yield
      }) : () -> ()
      %add3A_319 = arith.constant 2 : i32
      %add3A_320 = arith.addi %mul3A_296, %add3A_319 : i32
      %mul3A_321 = arith.constant 32 : i32
      %mul3A_322 = arith.muli %add3A_320, %mul3A_321 : i32
      %add3A_323 = arith.addi %add3A, %mul3A_322 : i32
      %mul3A_324 = arith.constant 128 : i32
      %mul3A_325 = arith.muli %add3A_323, %mul3A_324 : i32
      "tpu.region"() ({
        %run_scoped3A_341 = tpu.sem_alloc : memref<!tpu.dma_semaphore, #tpu.memory_space<semaphore_mem>>
        %dma_start3A_342 = arith.constant 0 : i32
        %dma_start3A_343 = tpu.memref_slice %arg3[%dma_start3A_342, %mul3A_325] : memref<2x320000xi32, #tpu.memory_space<hbm>> -> memref<2x128xi32, #tpu.memory_space<hbm>>
        %dma_start3A_344 = arith.constant 0 : i32
        %dma_start3A_345 = tpu.memref_slice %arg3[%dma_start3A_344, %mul3A_325] : memref<2x320000xi32, #tpu.memory_space<hbm>> -> memref<2x128xi32, #tpu.memory_space<hbm>>
        tpu.enqueue_dma source(%dma_start3A_345 : memref<2x128xi32, #tpu.memory_space<hbm>>) target(%arg8 : memref<2x128xi32, #tpu.memory_space<vmem>>) target_semaphore(%run_scoped3A_341 : memref<!tpu.dma_semaphore, #tpu.memory_space<semaphore_mem>>)
        %dma_wait3A_346 = arith.constant 0 : i32
        %dma_wait3A_347 = tpu.memref_slice %arg3[%dma_wait3A_346, %mul3A_325] : memref<2x320000xi32, #tpu.memory_space<hbm>> -> memref<2x128xi32, #tpu.memory_space<hbm>>
        %dma_wait3A_348 = arith.constant 0 : i32
        %dma_wait3A_349 = tpu.memref_slice %arg3[%dma_wait3A_348, %mul3A_325] : memref<2x320000xi32, #tpu.memory_space<hbm>> -> memref<2x128xi32, #tpu.memory_space<hbm>>
        tpu.wait_dma2 semaphore(%run_scoped3A_341 : memref<!tpu.dma_semaphore, #tpu.memory_space<semaphore_mem>>) src(%dma_wait3A_349 : memref<2x128xi32, #tpu.memory_space<hbm>>) dst(%arg8 : memref<2x128xi32, #tpu.memory_space<vmem>>)
        tpu.yield
      }) : () -> ()
      %dma_start3A_326 = arith.constant 0 : i32
      %dma_start3A_327 = arith.constant 0 : i32
      %dma_start3A_328 = tpu.memref_slice %arg8[%dma_start3A_326, %dma_start3A_327] : memref<2x128xi32, #tpu.memory_space<vmem>> -> memref<1x128xi32, #tpu.memory_space<vmem>>
      %dma_start3A_329 = tpu.memref_squeeze %dma_start3A_328 : memref<1x128xi32, #tpu.memory_space<vmem>> -> memref<128xi32, #tpu.memory_space<vmem>>
      %dma_start3A_330 = arith.constant 0 : i32
      %dma_start3A_331 = arith.constant 0 : i32
      %dma_start3A_332 = tpu.memref_slice %arg2[%dma_start3A_330, %dma_start3A_331] : memref<10000x128xf32, #tpu.memory_space<hbm>> -> memref<10000x128xf32, #tpu.memory_space<hbm>>
      tpu.enqueue_indirect_dma source(%dma_start3A_332 : memref<10000x128xf32, #tpu.memory_space<hbm>>) target(%arg9 : memref<128x128xf32, #tpu.memory_space<vmem>>) offsets(%dma_start3A_329 : memref<128xi32, #tpu.memory_space<vmem>>) semaphore(%arg12 : memref<!tpu.dma_semaphore, #tpu.memory_space<semaphore_mem>>)
      %dma_wait3A_333 = arith.constant 0 : i32
      %dma_wait3A_334 = arith.constant 0 : i32
      %dma_wait3A_335 = tpu.memref_slice %arg6[%dma_wait3A_333, %dma_wait3A_334] : memref<2x128xi32, #tpu.memory_space<vmem>> -> memref<1x128xi32, #tpu.memory_space<vmem>>
      %dma_wait3A_336 = tpu.memref_squeeze %dma_wait3A_335 : memref<1x128xi32, #tpu.memory_space<vmem>> -> memref<128xi32, #tpu.memory_space<vmem>>
      %dma_wait3A_337 = arith.constant 0 : i32
      %dma_wait3A_338 = arith.constant 0 : i32
      %dma_wait3A_339 = tpu.memref_slice %arg2[%dma_wait3A_337, %dma_wait3A_338] : memref<10000x128xf32, #tpu.memory_space<hbm>> -> memref<10000x128xf32, #tpu.memory_space<hbm>>
      tpu.wait_indirect_dma semaphore(%arg11 : memref<!tpu.dma_semaphore, #tpu.memory_space<semaphore_mem>>) src(%dma_wait3A_339 : memref<10000x128xf32, #tpu.memory_space<hbm>>) dst(%arg7 : memref<128x128xf32, #tpu.memory_space<vmem>>)
      %run_scoped3A_340 = arith.constant 1 : i32
      "tpu.region"() ({
        %run_scoped3A_341 = tpu.sem_alloc : memref<!tpu.dma_semaphore, #tpu.memory_space<semaphore_mem>>
        %dma_start3A_342 = arith.constant 0 : i32
        %dma_start3A_343 = tpu.memref_slice %arg6[%run_scoped3A_340, %dma_start3A_342] : memref<2x128xi32, #tpu.memory_space<vmem>> -> memref<1x128xi32, #tpu.memory_space<vmem>>
        %dma_start3A_344 = tpu.memref_squeeze %dma_start3A_343 : memref<1x128xi32, #tpu.memory_space<vmem>> -> memref<128xi32, #tpu.memory_space<vmem>>
        %dma_start3A_345 = arith.constant 0 : i32
        %dma_start3A_346 = arith.constant 0 : i32
        %dma_start3A_347 = tpu.memref_slice %arg10[%dma_start3A_345, %dma_start3A_346] : memref<10240x128xf32, #tpu.memory_space<vmem_shared>> -> memref<10240x128xf32, #tpu.memory_space<vmem_shared>>
        tpu.enqueue_indirect_dma source(%arg7 : memref<128x128xf32, #tpu.memory_space<vmem>>) target(%dma_start3A_347 : memref<10240x128xf32, #tpu.memory_space<vmem_shared>>) offsets(%dma_start3A_344 : memref<128xi32, #tpu.memory_space<vmem>>) semaphore(%run_scoped3A_341 : memref<!tpu.dma_semaphore, #tpu.memory_space<semaphore_mem>>) {add = true}
        %dma_wait3A_348 = arith.constant 0 : i32
        %dma_wait3A_349 = tpu.memref_slice %arg6[%run_scoped3A_340, %dma_wait3A_348] : memref<2x128xi32, #tpu.memory_space<vmem>> -> memref<1x128xi32, #tpu.memory_space<vmem>>
        %dma_wait3A_350 = tpu.memref_squeeze %dma_wait3A_349 : memref<1x128xi32, #tpu.memory_space<vmem>> -> memref<128xi32, #tpu.memory_space<vmem>>
        %dma_wait3A_351 = arith.constant 0 : i32
        %dma_wait3A_352 = arith.constant 0 : i32
        %dma_wait3A_353 = tpu.memref_slice %arg10[%dma_wait3A_351, %dma_wait3A_352] : memref<10240x128xf32, #tpu.memory_space<vmem_shared>> -> memref<10240x128xf32, #tpu.memory_space<vmem_shared>>
        tpu.wait_indirect_dma semaphore(%run_scoped3A_341 : memref<!tpu.dma_semaphore, #tpu.memory_space<semaphore_mem>>) src(%arg7 : memref<128x128xf32, #tpu.memory_space<vmem>>) dst(%dma_wait3A_353 : memref<10240x128xf32, #tpu.memory_space<vmem_shared>>)
        tpu.yield
      }) : () -> ()
    }
    %scan3A_114 = arith.constant 38 : i32
    %add3A_115 = arith.constant 2464 : i32
    %add3A_116 = arith.addi %add3A, %add3A_115 : i32
    %mul3A_117 = arith.constant 128 : i32
    %mul3A_118 = arith.muli %add3A_116, %mul3A_117 : i32
    "tpu.region"() ({
      %run_scoped3A_294 = tpu.sem_alloc : memref<!tpu.dma_semaphore, #tpu.memory_space<semaphore_mem>>
      %dma_start3A_295 = arith.constant 0 : i32
      %dma_start3A_296 = tpu.memref_slice %arg3[%dma_start3A_295, %mul3A_118] : memref<2x320000xi32, #tpu.memory_space<hbm>> -> memref<2x128xi32, #tpu.memory_space<hbm>>
      %dma_start3A_297 = arith.constant 0 : i32
      %dma_start3A_298 = tpu.memref_slice %arg3[%dma_start3A_297, %mul3A_118] : memref<2x320000xi32, #tpu.memory_space<hbm>> -> memref<2x128xi32, #tpu.memory_space<hbm>>
      tpu.enqueue_dma source(%dma_start3A_298 : memref<2x128xi32, #tpu.memory_space<hbm>>) target(%arg6 : memref<2x128xi32, #tpu.memory_space<vmem>>) target_semaphore(%run_scoped3A_294 : memref<!tpu.dma_semaphore, #tpu.memory_space<semaphore_mem>>)
      %dma_wait3A_299 = arith.constant 0 : i32
      %dma_wait3A_300 = tpu.memref_slice %arg3[%dma_wait3A_299, %mul3A_118] : memref<2x320000xi32, #tpu.memory_space<hbm>> -> memref<2x128xi32, #tpu.memory_space<hbm>>
      %dma_wait3A_301 = arith.constant 0 : i32
      %dma_wait3A_302 = tpu.memref_slice %arg3[%dma_wait3A_301, %mul3A_118] : memref<2x320000xi32, #tpu.memory_space<hbm>> -> memref<2x128xi32, #tpu.memory_space<hbm>>
      tpu.wait_dma2 semaphore(%run_scoped3A_294 : memref<!tpu.dma_semaphore, #tpu.memory_space<semaphore_mem>>) src(%dma_wait3A_302 : memref<2x128xi32, #tpu.memory_space<hbm>>) dst(%arg6 : memref<2x128xi32, #tpu.memory_space<vmem>>)
      tpu.yield
    }) : () -> ()
    %dma_start3A_119 = arith.constant 0 : i32
    %dma_start3A_120 = arith.constant 0 : i32
    %dma_start3A_121 = tpu.memref_slice %arg6[%dma_start3A_119, %dma_start3A_120] : memref<2x128xi32, #tpu.memory_space<vmem>> -> memref<1x128xi32, #tpu.memory_space<vmem>>
    %dma_start3A_122 = tpu.memref_squeeze %dma_start3A_121 : memref<1x128xi32, #tpu.memory_space<vmem>> -> memref<128xi32, #tpu.memory_space<vmem>>
    %dma_start3A_123 = arith.constant 0 : i32
    %dma_start3A_124 = arith.constant 0 : i32
    %dma_start3A_125 = tpu.memref_slice %arg2[%dma_start3A_123, %dma_start3A_124] : memref<10000x128xf32, #tpu.memory_space<hbm>> -> memref<10000x128xf32, #tpu.memory_space<hbm>>
    tpu.enqueue_indirect_dma source(%dma_start3A_125 : memref<10000x128xf32, #tpu.memory_space<hbm>>) target(%arg7 : memref<128x128xf32, #tpu.memory_space<vmem>>) offsets(%dma_start3A_122 : memref<128xi32, #tpu.memory_space<vmem>>) semaphore(%arg11 : memref<!tpu.dma_semaphore, #tpu.memory_space<semaphore_mem>>)
    %dma_wait3A_126 = arith.constant 0 : i32
    %dma_wait3A_127 = arith.constant 0 : i32
    %dma_wait3A_128 = tpu.memref_slice %arg8[%dma_wait3A_126, %dma_wait3A_127] : memref<2x128xi32, #tpu.memory_space<vmem>> -> memref<1x128xi32, #tpu.memory_space<vmem>>
    %dma_wait3A_129 = tpu.memref_squeeze %dma_wait3A_128 : memref<1x128xi32, #tpu.memory_space<vmem>> -> memref<128xi32, #tpu.memory_space<vmem>>
    %dma_wait3A_130 = arith.constant 0 : i32
    %dma_wait3A_131 = arith.constant 0 : i32
    %dma_wait3A_132 = tpu.memref_slice %arg2[%dma_wait3A_130, %dma_wait3A_131] : memref<10000x128xf32, #tpu.memory_space<hbm>> -> memref<10000x128xf32, #tpu.memory_space<hbm>>
    tpu.wait_indirect_dma semaphore(%arg12 : memref<!tpu.dma_semaphore, #tpu.memory_space<semaphore_mem>>) src(%dma_wait3A_132 : memref<10000x128xf32, #tpu.memory_space<hbm>>) dst(%arg9 : memref<128x128xf32, #tpu.memory_space<vmem>>)
    %run_scoped3A = arith.constant 1 : i32
    "tpu.region"() ({
      %run_scoped3A_294 = tpu.sem_alloc : memref<!tpu.dma_semaphore, #tpu.memory_space<semaphore_mem>>
      %dma_start3A_295 = arith.constant 0 : i32
      %dma_start3A_296 = tpu.memref_slice %arg8[%run_scoped3A, %dma_start3A_295] : memref<2x128xi32, #tpu.memory_space<vmem>> -> memref<1x128xi32, #tpu.memory_space<vmem>>
      %dma_start3A_297 = tpu.memref_squeeze %dma_start3A_296 : memref<1x128xi32, #tpu.memory_space<vmem>> -> memref<128xi32, #tpu.memory_space<vmem>>
      %dma_start3A_298 = arith.constant 0 : i32
      %dma_start3A_299 = arith.constant 0 : i32
      %dma_start3A_300 = tpu.memref_slice %arg10[%dma_start3A_298, %dma_start3A_299] : memref<10240x128xf32, #tpu.memory_space<vmem_shared>> -> memref<10240x128xf32, #tpu.memory_space<vmem_shared>>
      tpu.enqueue_indirect_dma source(%arg9 : memref<128x128xf32, #tpu.memory_space<vmem>>) target(%dma_start3A_300 : memref<10240x128xf32, #tpu.memory_space<vmem_shared>>) offsets(%dma_start3A_297 : memref<128xi32, #tpu.memory_space<vmem>>) semaphore(%run_scoped3A_294 : memref<!tpu.dma_semaphore, #tpu.memory_space<semaphore_mem>>) {add = true}
      %dma_wait3A_301 = arith.constant 0 : i32
      %dma_wait3A_302 = tpu.memref_slice %arg8[%run_scoped3A, %dma_wait3A_301] : memref<2x128xi32, #tpu.memory_space<vmem>> -> memref<1x128xi32, #tpu.memory_space<vmem>>
      %dma_wait3A_303 = tpu.memref_squeeze %dma_wait3A_302 : memref<1x128xi32, #tpu.memory_space<vmem>> -> memref<128xi32, #tpu.memory_space<vmem>>
      %dma_wait3A_304 = arith.constant 0 : i32
      %dma_wait3A_305 = arith.constant 0 : i32
      %dma_wait3A_306 = tpu.memref_slice %arg10[%dma_wait3A_304, %dma_wait3A_305] : memref<10240x128xf32, #tpu.memory_space<vmem_shared>> -> memref<10240x128xf32, #tpu.memory_space<vmem_shared>>
      tpu.wait_indirect_dma semaphore(%run_scoped3A_294 : memref<!tpu.dma_semaphore, #tpu.memory_space<semaphore_mem>>) src(%arg9 : memref<128x128xf32, #tpu.memory_space<vmem>>) dst(%dma_wait3A_306 : memref<10240x128xf32, #tpu.memory_space<vmem_shared>>)
      tpu.yield
    }) : () -> ()
    %dma_wait3A_133 = arith.constant 0 : i32
    %dma_wait3A_134 = arith.constant 0 : i32
    %dma_wait3A_135 = tpu.memref_slice %arg6[%dma_wait3A_133, %dma_wait3A_134] : memref<2x128xi32, #tpu.memory_space<vmem>> -> memref<1x128xi32, #tpu.memory_space<vmem>>
    %dma_wait3A_136 = tpu.memref_squeeze %dma_wait3A_135 : memref<1x128xi32, #tpu.memory_space<vmem>> -> memref<128xi32, #tpu.memory_space<vmem>>
    %dma_wait3A_137 = arith.constant 0 : i32
    %dma_wait3A_138 = arith.constant 0 : i32
    %dma_wait3A_139 = tpu.memref_slice %arg2[%dma_wait3A_137, %dma_wait3A_138] : memref<10000x128xf32, #tpu.memory_space<hbm>> -> memref<10000x128xf32, #tpu.memory_space<hbm>>
    tpu.wait_indirect_dma semaphore(%arg11 : memref<!tpu.dma_semaphore, #tpu.memory_space<semaphore_mem>>) src(%dma_wait3A_139 : memref<10000x128xf32, #tpu.memory_space<hbm>>) dst(%arg7 : memref<128x128xf32, #tpu.memory_space<vmem>>)
    %run_scoped3A_140 = arith.constant 1 : i32
    "tpu.region"() ({
      %run_scoped3A_294 = tpu.sem_alloc : memref<!tpu.dma_semaphore, #tpu.memory_space<semaphore_mem>>
      %dma_start3A_295 = arith.constant 0 : i32
      %dma_start3A_296 = tpu.memref_slice %arg6[%run_scoped3A_140, %dma_start3A_295] : memref<2x128xi32, #tpu.memory_space<vmem>> -> memref<1x128xi32, #tpu.memory_space<vmem>>
      %dma_start3A_297 = tpu.memref_squeeze %dma_start3A_296 : memref<1x128xi32, #tpu.memory_space<vmem>> -> memref<128xi32, #tpu.memory_space<vmem>>
      %dma_start3A_298 = arith.constant 0 : i32
      %dma_start3A_299 = arith.constant 0 : i32
      %dma_start3A_300 = tpu.memref_slice %arg10[%dma_start3A_298, %dma_start3A_299] : memref<10240x128xf32, #tpu.memory_space<vmem_shared>> -> memref<10240x128xf32, #tpu.memory_space<vmem_shared>>
      tpu.enqueue_indirect_dma source(%arg7 : memref<128x128xf32, #tpu.memory_space<vmem>>) target(%dma_start3A_300 : memref<10240x128xf32, #tpu.memory_space<vmem_shared>>) offsets(%dma_start3A_297 : memref<128xi32, #tpu.memory_space<vmem>>) semaphore(%run_scoped3A_294 : memref<!tpu.dma_semaphore, #tpu.memory_space<semaphore_mem>>) {add = true}
      %dma_wait3A_301 = arith.constant 0 : i32
      %dma_wait3A_302 = tpu.memref_slice %arg6[%run_scoped3A_140, %dma_wait3A_301] : memref<2x128xi32, #tpu.memory_space<vmem>> -> memref<1x128xi32, #tpu.memory_space<vmem>>
      %dma_wait3A_303 = tpu.memref_squeeze %dma_wait3A_302 : memref<1x128xi32, #tpu.memory_space<vmem>> -> memref<128xi32, #tpu.memory_space<vmem>>
      %dma_wait3A_304 = arith.constant 0 : i32
      %dma_wait3A_305 = arith.constant 0 : i32
      %dma_wait3A_306 = tpu.memref_slice %arg10[%dma_wait3A_304, %dma_wait3A_305] : memref<10240x128xf32, #tpu.memory_space<vmem_shared>> -> memref<10240x128xf32, #tpu.memory_space<vmem_shared>>
      tpu.wait_indirect_dma semaphore(%run_scoped3A_294 : memref<!tpu.dma_semaphore, #tpu.memory_space<semaphore_mem>>) src(%arg7 : memref<128x128xf32, #tpu.memory_space<vmem>>) dst(%dma_wait3A_306 : memref<10240x128xf32, #tpu.memory_space<vmem_shared>>)
      tpu.yield
    }) : () -> ()
    %lt3A = arith.constant 4 : i32
    %lt3A_141 = arith.cmpi slt, %add3A, %lt3A : i32
    %convert_element_type3A = arith.extui %lt3A_141 : i1 to i32
    %cond3A = arith.constant 0 : i32
    %cond3A_142 = arith.cmpi ne, %convert_element_type3A, %cond3A : i32
    scf.if %cond3A_142 {
      %add3A_294 = arith.constant 2496 : i32
      %add3A_295 = arith.addi %add3A_294, %add3A : i32
      %mul3A_296 = arith.constant 128 : i32
      %mul3A_297 = arith.muli %add3A_295, %mul3A_296 : i32
      "tpu.region"() ({
        %run_scoped3A_313 = tpu.sem_alloc : memref<!tpu.dma_semaphore, #tpu.memory_space<semaphore_mem>>
        %dma_start3A_314 = arith.constant 0 : i32
        %dma_start3A_315 = tpu.memref_slice %arg3[%dma_start3A_314, %mul3A_297] : memref<2x320000xi32, #tpu.memory_space<hbm>> -> memref<2x128xi32, #tpu.memory_space<hbm>>
        %dma_start3A_316 = arith.constant 0 : i32
        %dma_start3A_317 = tpu.memref_slice %arg3[%dma_start3A_316, %mul3A_297] : memref<2x320000xi32, #tpu.memory_space<hbm>> -> memref<2x128xi32, #tpu.memory_space<hbm>>
        tpu.enqueue_dma source(%dma_start3A_317 : memref<2x128xi32, #tpu.memory_space<hbm>>) target(%arg6 : memref<2x128xi32, #tpu.memory_space<vmem>>) target_semaphore(%run_scoped3A_313 : memref<!tpu.dma_semaphore, #tpu.memory_space<semaphore_mem>>)
        %dma_wait3A_318 = arith.constant 0 : i32
        %dma_wait3A_319 = tpu.memref_slice %arg3[%dma_wait3A_318, %mul3A_297] : memref<2x320000xi32, #tpu.memory_space<hbm>> -> memref<2x128xi32, #tpu.memory_space<hbm>>
        %dma_wait3A_320 = arith.constant 0 : i32
        %dma_wait3A_321 = tpu.memref_slice %arg3[%dma_wait3A_320, %mul3A_297] : memref<2x320000xi32, #tpu.memory_space<hbm>> -> memref<2x128xi32, #tpu.memory_space<hbm>>
        tpu.wait_dma2 semaphore(%run_scoped3A_313 : memref<!tpu.dma_semaphore, #tpu.memory_space<semaphore_mem>>) src(%dma_wait3A_321 : memref<2x128xi32, #tpu.memory_space<hbm>>) dst(%arg6 : memref<2x128xi32, #tpu.memory_space<vmem>>)
        tpu.yield
      }) : () -> ()
      %dma_start3A_298 = arith.constant 0 : i32
      %dma_start3A_299 = arith.constant 0 : i32
      %dma_start3A_300 = tpu.memref_slice %arg6[%dma_start3A_298, %dma_start3A_299] : memref<2x128xi32, #tpu.memory_space<vmem>> -> memref<1x128xi32, #tpu.memory_space<vmem>>
      %dma_start3A_301 = tpu.memref_squeeze %dma_start3A_300 : memref<1x128xi32, #tpu.memory_space<vmem>> -> memref<128xi32, #tpu.memory_space<vmem>>
      %dma_start3A_302 = arith.constant 0 : i32
      %dma_start3A_303 = arith.constant 0 : i32
      %dma_start3A_304 = tpu.memref_slice %arg2[%dma_start3A_302, %dma_start3A_303] : memref<10000x128xf32, #tpu.memory_space<hbm>> -> memref<10000x128xf32, #tpu.memory_space<hbm>>
      tpu.enqueue_indirect_dma source(%dma_start3A_304 : memref<10000x128xf32, #tpu.memory_space<hbm>>) target(%arg7 : memref<128x128xf32, #tpu.memory_space<vmem>>) offsets(%dma_start3A_301 : memref<128xi32, #tpu.memory_space<vmem>>) semaphore(%arg11 : memref<!tpu.dma_semaphore, #tpu.memory_space<semaphore_mem>>)
      %dma_wait3A_305 = arith.constant 0 : i32
      %dma_wait3A_306 = arith.constant 0 : i32
      %dma_wait3A_307 = tpu.memref_slice %arg6[%dma_wait3A_305, %dma_wait3A_306] : memref<2x128xi32, #tpu.memory_space<vmem>> -> memref<1x128xi32, #tpu.memory_space<vmem>>
      %dma_wait3A_308 = tpu.memref_squeeze %dma_wait3A_307 : memref<1x128xi32, #tpu.memory_space<vmem>> -> memref<128xi32, #tpu.memory_space<vmem>>
      %dma_wait3A_309 = arith.constant 0 : i32
      %dma_wait3A_310 = arith.constant 0 : i32
      %dma_wait3A_311 = tpu.memref_slice %arg2[%dma_wait3A_309, %dma_wait3A_310] : memref<10000x128xf32, #tpu.memory_space<hbm>> -> memref<10000x128xf32, #tpu.memory_space<hbm>>
      tpu.wait_indirect_dma semaphore(%arg11 : memref<!tpu.dma_semaphore, #tpu.memory_space<semaphore_mem>>) src(%dma_wait3A_311 : memref<10000x128xf32, #tpu.memory_space<hbm>>) dst(%arg7 : memref<128x128xf32, #tpu.memory_space<vmem>>)
      %run_scoped3A_312 = arith.constant 1 : i32
      "tpu.region"() ({
        %run_scoped3A_313 = tpu.sem_alloc : memref<!tpu.dma_semaphore, #tpu.memory_space<semaphore_mem>>
        %dma_start3A_314 = arith.constant 0 : i32
        %dma_start3A_315 = tpu.memref_slice %arg6[%run_scoped3A_312, %dma_start3A_314] : memref<2x128xi32, #tpu.memory_space<vmem>> -> memref<1x128xi32, #tpu.memory_space<vmem>>
        %dma_start3A_316 = tpu.memref_squeeze %dma_start3A_315 : memref<1x128xi32, #tpu.memory_space<vmem>> -> memref<128xi32, #tpu.memory_space<vmem>>
        %dma_start3A_317 = arith.constant 0 : i32
        %dma_start3A_318 = arith.constant 0 : i32
        %dma_start3A_319 = tpu.memref_slice %arg10[%dma_start3A_317, %dma_start3A_318] : memref<10240x128xf32, #tpu.memory_space<vmem_shared>> -> memref<10240x128xf32, #tpu.memory_space<vmem_shared>>
        tpu.enqueue_indirect_dma source(%arg7 : memref<128x128xf32, #tpu.memory_space<vmem>>) target(%dma_start3A_319 : memref<10240x128xf32, #tpu.memory_space<vmem_shared>>) offsets(%dma_start3A_316 : memref<128xi32, #tpu.memory_space<vmem>>) semaphore(%run_scoped3A_313 : memref<!tpu.dma_semaphore, #tpu.memory_space<semaphore_mem>>) {add = true}
        %dma_wait3A_320 = arith.constant 0 : i32
        %dma_wait3A_321 = tpu.memref_slice %arg6[%run_scoped3A_312, %dma_wait3A_320] : memref<2x128xi32, #tpu.memory_space<vmem>> -> memref<1x128xi32, #tpu.memory_space<vmem>>
        %dma_wait3A_322 = tpu.memref_squeeze %dma_wait3A_321 : memref<1x128xi32, #tpu.memory_space<vmem>> -> memref<128xi32, #tpu.memory_space<vmem>>
        %dma_wait3A_323 = arith.constant 0 : i32
        %dma_wait3A_324 = arith.constant 0 : i32
        %dma_wait3A_325 = tpu.memref_slice %arg10[%dma_wait3A_323, %dma_wait3A_324] : memref<10240x128xf32, #tpu.memory_space<vmem_shared>> -> memref<10240x128xf32, #tpu.memory_space<vmem_shared>>
        tpu.wait_indirect_dma semaphore(%run_scoped3A_313 : memref<!tpu.dma_semaphore, #tpu.memory_space<semaphore_mem>>) src(%arg7 : memref<128x128xf32, #tpu.memory_space<vmem>>) dst(%dma_wait3A_325 : memref<10240x128xf32, #tpu.memory_space<vmem_shared>>)
        tpu.yield
      }) : () -> ()
    } else {
    }
    %barrier3A_143 = arith.constant 0 : index
    tpu.barrier barrier_id(%barrier3A_143)
    %mul3A_144 = arith.constant 5 : i32
    %mul3A_145 = arith.muli %arg1, %mul3A_144 : i32
    %add3A_146 = arith.constant 0 : i32
    %add3A_147 = arith.addi %mul3A_145, %add3A_146 : i32
    %mul3A_148 = arith.constant 128 : i32
    %mul3A_149 = arith.muli %add3A_147, %mul3A_148 : i32
    %mul3A_150 = arith.constant 10240 : i32
    %mul3A_151 = arith.muli %arg0, %mul3A_150 : i32
    %mul3A_152 = arith.constant 128 : i32
    %mul3A_153 = arith.muli %add3A_147, %mul3A_152 : i32
    %add3A_154 = arith.addi %mul3A_151, %mul3A_153 : i32
    %dma_start3A_155 = arith.constant 0 : i32
    %dma_start3A_156 = tpu.memref_slice %arg5[%add3A_154, %dma_start3A_155] : memref<20480x128xf32, #tpu.memory_space<hbm>> -> memref<128x128xf32, #tpu.memory_space<hbm>>
    %dma_start3A_157 = arith.constant 0 : i32
    %dma_start3A_158 = tpu.memref_slice %arg10[%mul3A_149, %dma_start3A_157] : memref<10240x128xf32, #tpu.memory_space<vmem_shared>> -> memref<128x128xf32, #tpu.memory_space<vmem_shared>>
    tpu.enqueue_dma source(%dma_start3A_158 : memref<128x128xf32, #tpu.memory_space<vmem_shared>>) target(%dma_start3A_156 : memref<128x128xf32, #tpu.memory_space<hbm>>) target_semaphore(%arg11 : memref<!tpu.dma_semaphore, #tpu.memory_space<semaphore_mem>>)
    %mul3A_159 = arith.constant 5 : i32
    %mul3A_160 = arith.muli %arg1, %mul3A_159 : i32
    %add3A_161 = arith.constant 1 : i32
    %add3A_162 = arith.addi %mul3A_160, %add3A_161 : i32
    %mul3A_163 = arith.constant 128 : i32
    %mul3A_164 = arith.muli %add3A_162, %mul3A_163 : i32
    %mul3A_165 = arith.constant 10240 : i32
    %mul3A_166 = arith.muli %arg0, %mul3A_165 : i32
    %mul3A_167 = arith.constant 128 : i32
    %mul3A_168 = arith.muli %add3A_162, %mul3A_167 : i32
    %add3A_169 = arith.addi %mul3A_166, %mul3A_168 : i32
    %dma_start3A_170 = arith.constant 0 : i32
    %dma_start3A_171 = tpu.memref_slice %arg5[%add3A_169, %dma_start3A_170] : memref<20480x128xf32, #tpu.memory_space<hbm>> -> memref<128x128xf32, #tpu.memory_space<hbm>>
    %dma_start3A_172 = arith.constant 0 : i32
    %dma_start3A_173 = tpu.memref_slice %arg10[%mul3A_164, %dma_start3A_172] : memref<10240x128xf32, #tpu.memory_space<vmem_shared>> -> memref<128x128xf32, #tpu.memory_space<vmem_shared>>
    tpu.enqueue_dma source(%dma_start3A_173 : memref<128x128xf32, #tpu.memory_space<vmem_shared>>) target(%dma_start3A_171 : memref<128x128xf32, #tpu.memory_space<hbm>>) target_semaphore(%arg11 : memref<!tpu.dma_semaphore, #tpu.memory_space<semaphore_mem>>)
    %mul3A_174 = arith.constant 5 : i32
    %mul3A_175 = arith.muli %arg1, %mul3A_174 : i32
    %add3A_176 = arith.constant 2 : i32
    %add3A_177 = arith.addi %mul3A_175, %add3A_176 : i32
    %mul3A_178 = arith.constant 128 : i32
    %mul3A_179 = arith.muli %add3A_177, %mul3A_178 : i32
    %mul3A_180 = arith.constant 10240 : i32
    %mul3A_181 = arith.muli %arg0, %mul3A_180 : i32
    %mul3A_182 = arith.constant 128 : i32
    %mul3A_183 = arith.muli %add3A_177, %mul3A_182 : i32
    %add3A_184 = arith.addi %mul3A_181, %mul3A_183 : i32
    %dma_start3A_185 = arith.constant 0 : i32
    %dma_start3A_186 = tpu.memref_slice %arg5[%add3A_184, %dma_start3A_185] : memref<20480x128xf32, #tpu.memory_space<hbm>> -> memref<128x128xf32, #tpu.memory_space<hbm>>
    %dma_start3A_187 = arith.constant 0 : i32
    %dma_start3A_188 = tpu.memref_slice %arg10[%mul3A_179, %dma_start3A_187] : memref<10240x128xf32, #tpu.memory_space<vmem_shared>> -> memref<128x128xf32, #tpu.memory_space<vmem_shared>>
    tpu.enqueue_dma source(%dma_start3A_188 : memref<128x128xf32, #tpu.memory_space<vmem_shared>>) target(%dma_start3A_186 : memref<128x128xf32, #tpu.memory_space<hbm>>) target_semaphore(%arg11 : memref<!tpu.dma_semaphore, #tpu.memory_space<semaphore_mem>>)
    %mul3A_189 = arith.constant 5 : i32
    %mul3A_190 = arith.muli %arg1, %mul3A_189 : i32
    %add3A_191 = arith.constant 3 : i32
    %add3A_192 = arith.addi %mul3A_190, %add3A_191 : i32
    %mul3A_193 = arith.constant 128 : i32
    %mul3A_194 = arith.muli %add3A_192, %mul3A_193 : i32
    %mul3A_195 = arith.constant 10240 : i32
    %mul3A_196 = arith.muli %arg0, %mul3A_195 : i32
    %mul3A_197 = arith.constant 128 : i32
    %mul3A_198 = arith.muli %add3A_192, %mul3A_197 : i32
    %add3A_199 = arith.addi %mul3A_196, %mul3A_198 : i32
    %dma_start3A_200 = arith.constant 0 : i32
    %dma_start3A_201 = tpu.memref_slice %arg5[%add3A_199, %dma_start3A_200] : memref<20480x128xf32, #tpu.memory_space<hbm>> -> memref<128x128xf32, #tpu.memory_space<hbm>>
    %dma_start3A_202 = arith.constant 0 : i32
    %dma_start3A_203 = tpu.memref_slice %arg10[%mul3A_194, %dma_start3A_202] : memref<10240x128xf32, #tpu.memory_space<vmem_shared>> -> memref<128x128xf32, #tpu.memory_space<vmem_shared>>
    tpu.enqueue_dma source(%dma_start3A_203 : memref<128x128xf32, #tpu.memory_space<vmem_shared>>) target(%dma_start3A_201 : memref<128x128xf32, #tpu.memory_space<hbm>>) target_semaphore(%arg11 : memref<!tpu.dma_semaphore, #tpu.memory_space<semaphore_mem>>)
    %mul3A_204 = arith.constant 5 : i32
    %mul3A_205 = arith.muli %arg1, %mul3A_204 : i32
    %add3A_206 = arith.constant 4 : i32
    %add3A_207 = arith.addi %mul3A_205, %add3A_206 : i32
    %mul3A_208 = arith.constant 128 : i32
    %mul3A_209 = arith.muli %add3A_207, %mul3A_208 : i32
    %mul3A_210 = arith.constant 10240 : i32
    %mul3A_211 = arith.muli %arg0, %mul3A_210 : i32
    %mul3A_212 = arith.constant 128 : i32
    %mul3A_213 = arith.muli %add3A_207, %mul3A_212 : i32
    %add3A_214 = arith.addi %mul3A_211, %mul3A_213 : i32
    %dma_start3A_215 = arith.constant 0 : i32
    %dma_start3A_216 = tpu.memref_slice %arg5[%add3A_214, %dma_start3A_215] : memref<20480x128xf32, #tpu.memory_space<hbm>> -> memref<128x128xf32, #tpu.memory_space<hbm>>
    %dma_start3A_217 = arith.constant 0 : i32
    %dma_start3A_218 = tpu.memref_slice %arg10[%mul3A_209, %dma_start3A_217] : memref<10240x128xf32, #tpu.memory_space<vmem_shared>> -> memref<128x128xf32, #tpu.memory_space<vmem_shared>>
    tpu.enqueue_dma source(%dma_start3A_218 : memref<128x128xf32, #tpu.memory_space<vmem_shared>>) target(%dma_start3A_216 : memref<128x128xf32, #tpu.memory_space<hbm>>) target_semaphore(%arg11 : memref<!tpu.dma_semaphore, #tpu.memory_space<semaphore_mem>>)
    %mul3A_219 = arith.constant 5 : i32
    %mul3A_220 = arith.muli %arg1, %mul3A_219 : i32
    %add3A_221 = arith.constant 0 : i32
    %add3A_222 = arith.addi %mul3A_220, %add3A_221 : i32
    %mul3A_223 = arith.constant 128 : i32
    %mul3A_224 = arith.muli %add3A_222, %mul3A_223 : i32
    %mul3A_225 = arith.constant 10240 : i32
    %mul3A_226 = arith.muli %arg0, %mul3A_225 : i32
    %mul3A_227 = arith.constant 128 : i32
    %mul3A_228 = arith.muli %add3A_222, %mul3A_227 : i32
    %add3A_229 = arith.addi %mul3A_226, %mul3A_228 : i32
    %dma_wait3A_230 = arith.constant 0 : i32
    %dma_wait3A_231 = tpu.memref_slice %arg5[%add3A_229, %dma_wait3A_230] : memref<20480x128xf32, #tpu.memory_space<hbm>> -> memref<128x128xf32, #tpu.memory_space<hbm>>
    %dma_wait3A_232 = arith.constant 0 : i32
    %dma_wait3A_233 = tpu.memref_slice %arg10[%mul3A_224, %dma_wait3A_232] : memref<10240x128xf32, #tpu.memory_space<vmem_shared>> -> memref<128x128xf32, #tpu.memory_space<vmem_shared>>
    tpu.wait_dma2 semaphore(%arg11 : memref<!tpu.dma_semaphore, #tpu.memory_space<semaphore_mem>>) src(%dma_wait3A_233 : memref<128x128xf32, #tpu.memory_space<vmem_shared>>) dst(%dma_wait3A_231 : memref<128x128xf32, #tpu.memory_space<hbm>>)
    %mul3A_234 = arith.constant 5 : i32
    %mul3A_235 = arith.muli %arg1, %mul3A_234 : i32
    %add3A_236 = arith.constant 1 : i32
    %add3A_237 = arith.addi %mul3A_235, %add3A_236 : i32
    %mul3A_238 = arith.constant 128 : i32
    %mul3A_239 = arith.muli %add3A_237, %mul3A_238 : i32
    %mul3A_240 = arith.constant 10240 : i32
    %mul3A_241 = arith.muli %arg0, %mul3A_240 : i32
    %mul3A_242 = arith.constant 128 : i32
    %mul3A_243 = arith.muli %add3A_237, %mul3A_242 : i32
    %add3A_244 = arith.addi %mul3A_241, %mul3A_243 : i32
    %dma_wait3A_245 = arith.constant 0 : i32
    %dma_wait3A_246 = tpu.memref_slice %arg5[%add3A_244, %dma_wait3A_245] : memref<20480x128xf32, #tpu.memory_space<hbm>> -> memref<128x128xf32, #tpu.memory_space<hbm>>
    %dma_wait3A_247 = arith.constant 0 : i32
    %dma_wait3A_248 = tpu.memref_slice %arg10[%mul3A_239, %dma_wait3A_247] : memref<10240x128xf32, #tpu.memory_space<vmem_shared>> -> memref<128x128xf32, #tpu.memory_space<vmem_shared>>
    tpu.wait_dma2 semaphore(%arg11 : memref<!tpu.dma_semaphore, #tpu.memory_space<semaphore_mem>>) src(%dma_wait3A_248 : memref<128x128xf32, #tpu.memory_space<vmem_shared>>) dst(%dma_wait3A_246 : memref<128x128xf32, #tpu.memory_space<hbm>>)
    %mul3A_249 = arith.constant 5 : i32
    %mul3A_250 = arith.muli %arg1, %mul3A_249 : i32
    %add3A_251 = arith.constant 2 : i32
    %add3A_252 = arith.addi %mul3A_250, %add3A_251 : i32
    %mul3A_253 = arith.constant 128 : i32
    %mul3A_254 = arith.muli %add3A_252, %mul3A_253 : i32
    %mul3A_255 = arith.constant 10240 : i32
    %mul3A_256 = arith.muli %arg0, %mul3A_255 : i32
    %mul3A_257 = arith.constant 128 : i32
    %mul3A_258 = arith.muli %add3A_252, %mul3A_257 : i32
    %add3A_259 = arith.addi %mul3A_256, %mul3A_258 : i32
    %dma_wait3A_260 = arith.constant 0 : i32
    %dma_wait3A_261 = tpu.memref_slice %arg5[%add3A_259, %dma_wait3A_260] : memref<20480x128xf32, #tpu.memory_space<hbm>> -> memref<128x128xf32, #tpu.memory_space<hbm>>
    %dma_wait3A_262 = arith.constant 0 : i32
    %dma_wait3A_263 = tpu.memref_slice %arg10[%mul3A_254, %dma_wait3A_262] : memref<10240x128xf32, #tpu.memory_space<vmem_shared>> -> memref<128x128xf32, #tpu.memory_space<vmem_shared>>
    tpu.wait_dma2 semaphore(%arg11 : memref<!tpu.dma_semaphore, #tpu.memory_space<semaphore_mem>>) src(%dma_wait3A_263 : memref<128x128xf32, #tpu.memory_space<vmem_shared>>) dst(%dma_wait3A_261 : memref<128x128xf32, #tpu.memory_space<hbm>>)
    %mul3A_264 = arith.constant 5 : i32
    %mul3A_265 = arith.muli %arg1, %mul3A_264 : i32
    %add3A_266 = arith.constant 3 : i32
    %add3A_267 = arith.addi %mul3A_265, %add3A_266 : i32
    %mul3A_268 = arith.constant 128 : i32
    %mul3A_269 = arith.muli %add3A_267, %mul3A_268 : i32
    %mul3A_270 = arith.constant 10240 : i32
    %mul3A_271 = arith.muli %arg0, %mul3A_270 : i32
    %mul3A_272 = arith.constant 128 : i32
    %mul3A_273 = arith.muli %add3A_267, %mul3A_272 : i32
    %add3A_274 = arith.addi %mul3A_271, %mul3A_273 : i32
    %dma_wait3A_275 = arith.constant 0 : i32
    %dma_wait3A_276 = tpu.memref_slice %arg5[%add3A_274, %dma_wait3A_275] : memref<20480x128xf32, #tpu.memory_space<hbm>> -> memref<128x128xf32, #tpu.memory_space<hbm>>
    %dma_wait3A_277 = arith.constant 0 : i32
    %dma_wait3A_278 = tpu.memref_slice %arg10[%mul3A_269, %dma_wait3A_277] : memref<10240x128xf32, #tpu.memory_space<vmem_shared>> -> memref<128x128xf32, #tpu.memory_space<vmem_shared>>
    tpu.wait_dma2 semaphore(%arg11 : memref<!tpu.dma_semaphore, #tpu.memory_space<semaphore_mem>>) src(%dma_wait3A_278 : memref<128x128xf32, #tpu.memory_space<vmem_shared>>) dst(%dma_wait3A_276 : memref<128x128xf32, #tpu.memory_space<hbm>>)
    %mul3A_279 = arith.constant 5 : i32
    %mul3A_280 = arith.muli %arg1, %mul3A_279 : i32
    %add3A_281 = arith.constant 4 : i32
    %add3A_282 = arith.addi %mul3A_280, %add3A_281 : i32
    %mul3A_283 = arith.constant 128 : i32
    %mul3A_284 = arith.muli %add3A_282, %mul3A_283 : i32
    %mul3A_285 = arith.constant 10240 : i32
    %mul3A_286 = arith.muli %arg0, %mul3A_285 : i32
    %mul3A_287 = arith.constant 128 : i32
    %mul3A_288 = arith.muli %add3A_282, %mul3A_287 : i32
    %add3A_289 = arith.addi %mul3A_286, %mul3A_288 : i32
    %dma_wait3A_290 = arith.constant 0 : i32
    %dma_wait3A_291 = tpu.memref_slice %arg5[%add3A_289, %dma_wait3A_290] : memref<20480x128xf32, #tpu.memory_space<hbm>> -> memref<128x128xf32, #tpu.memory_space<hbm>>
    %dma_wait3A_292 = arith.constant 0 : i32
    %dma_wait3A_293 = tpu.memref_slice %arg10[%mul3A_284, %dma_wait3A_292] : memref<10240x128xf32, #tpu.memory_space<vmem_shared>> -> memref<128x128xf32, #tpu.memory_space<vmem_shared>>
    tpu.wait_dma2 semaphore(%arg11 : memref<!tpu.dma_semaphore, #tpu.memory_space<semaphore_mem>>) src(%dma_wait3A_293 : memref<128x128xf32, #tpu.memory_space<vmem_shared>>) dst(%dma_wait3A_291 : memref<128x128xf32, #tpu.memory_space<hbm>>)
    return
  }
}

module attributes {stable_mosaic.version = 14 : i64} {
  func.func @_tc_cnt_body(%arg0: i32, %arg1: memref<1x1x12800xi32, #tpu.memory_space<vmem>>, %arg2: memref<128x128xf32, #tpu.memory_space<vmem>>) attributes {dimension_semantics = [#tpu.dimension_semantics<arbitrary>], iteration_bounds = array<i64: 25>, scalar_prefetch = 0 : i64, scratch_operands = 0 : i64, tpu.core_type = #tpu.core_type<tc>, window_params = [{transform_indices = @transform_0, window_bounds = array<i64: 1, 1, 12800>}, {pipeline_mode = #tpu.pipeline_mode<synchronous>, transform_indices = @transform_1, window_bounds = array<i64: 128, 128>}]} {
    %get3A = arith.constant 0 : index
    %get3A_0 = arith.constant 0 : index
    %get3A_1 = arith.constant 0 : index
    %get3A_2 = vector.load %arg1[%get3A, %get3A_0, %get3A_1] : memref<1x1x12800xi32, #tpu.memory_space<vmem>>, vector<1x1x12800xi32>
    %get3A_3 = vector.shape_cast %get3A_2 : vector<1x1x12800xi32> to vector<1x12800xi32>
    %iota3A = tpu.iota {dimensions = array<i32: 0>} : vector<128x1xi32>
    %shift_right_arithmetic3A = arith.constant 7 : i32
    %shift_right_arithmetic3A_4 = vector.broadcast %shift_right_arithmetic3A : i32 to vector<1x12800xi32>
    %shift_right_arithmetic3A_5 = arith.shrsi %get3A_3, %shift_right_arithmetic3A_4 : vector<1x12800xi32>
    %eq3A = vector.broadcast %iota3A : vector<128x1xi32> to vector<128x12800xi32>
    %eq3A_6 = vector.broadcast %shift_right_arithmetic3A_5 : vector<1x12800xi32> to vector<128x12800xi32>
    %eq3A_7 = arith.cmpi eq, %eq3A, %eq3A_6 : vector<128x12800xi32>
    %convert_element_type3A = arith.extui %eq3A_7 : vector<128x12800xi1> to vector<128x12800xi32>
    %convert_element_type3A_8 = arith.sitofp %convert_element_type3A : vector<128x12800xi32> to vector<128x12800xf32>
    %convert_element_type3A_9 = arith.truncf %convert_element_type3A_8 : vector<128x12800xf32> to vector<128x12800xbf16>
    %and3A = arith.constant 127 : i32
    %and3A_10 = vector.broadcast %and3A : i32 to vector<1x12800xi32>
    %and3A_11 = arith.andi %get3A_3, %and3A_10 : vector<1x12800xi32>
    %eq3A_12 = vector.broadcast %iota3A : vector<128x1xi32> to vector<128x12800xi32>
    %eq3A_13 = vector.broadcast %and3A_11 : vector<1x12800xi32> to vector<128x12800xi32>
    %eq3A_14 = arith.cmpi eq, %eq3A_12, %eq3A_13 : vector<128x12800xi32>
    %convert_element_type3A_15 = arith.extui %eq3A_14 : vector<128x12800xi1> to vector<128x12800xi32>
    %convert_element_type3A_16 = arith.sitofp %convert_element_type3A_15 : vector<128x12800xi32> to vector<128x12800xf32>
    %convert_element_type3A_17 = arith.truncf %convert_element_type3A_16 : vector<128x12800xf32> to vector<128x12800xbf16>
    %dot_general3A = arith.constant dense<0.000000e+00> : vector<128x128xf32>
    %dot_general3A_18 = tpu.matmul %convert_element_type3A_9, %convert_element_type3A_17, %dot_general3A {dimension_numbers = #tpu.dot_dimension_numbers<[1], [1], [0], [0], [0, 0, 1, 0], [], []>, transpose_lhs_hint = false} : vector<128x12800xbf16>, vector<128x12800xbf16>, vector<128x128xf32> -> vector<128x128xf32>
    %eq3A_19 = arith.constant 0 : i32
    %eq3A_20 = arith.cmpi eq, %arg0, %eq3A_19 : i32
    %convert_element_type3A_21 = arith.extui %eq3A_20 : i1 to i32
    %cond3A = arith.constant 0 : i32
    %cond3A_22 = arith.cmpi ne, %convert_element_type3A_21, %cond3A : i32
    scf.if %cond3A_22 {
      %swap3A = arith.constant 0 : index
      %swap3A_27 = arith.constant 0 : index
      %swap3A_28 = vector.load %arg2[%swap3A, %swap3A_27] : memref<128x128xf32, #tpu.memory_space<vmem>>, vector<128x128xf32>
      tpu.vector_store %arg2[%swap3A, %swap3A_27], %dot_general3A_18 {strides = array<i32>} : memref<128x128xf32, #tpu.memory_space<vmem>>, vector<128x128xf32>,
    } else {
    }
    %gt3A = arith.constant 0 : i32
    %gt3A_23 = arith.cmpi sgt, %arg0, %gt3A : i32
    %convert_element_type3A_24 = arith.extui %gt3A_23 : i1 to i32
    %cond3A_25 = arith.constant 0 : i32
    %cond3A_26 = arith.cmpi ne, %convert_element_type3A_24, %cond3A_25 : i32
    scf.if %cond3A_26 {
      %get3A_27 = arith.constant 0 : index
      %get3A_28 = arith.constant 0 : index
      %get3A_29 = vector.load %arg2[%get3A_27, %get3A_28] : memref<128x128xf32, #tpu.memory_space<vmem>>, vector<128x128xf32>
      %add3A = arith.addf %get3A_29, %dot_general3A_18 : vector<128x128xf32>
      %swap3A = arith.constant 0 : index
      %swap3A_30 = arith.constant 0 : index
      %swap3A_31 = vector.load %arg2[%swap3A, %swap3A_30] : memref<128x128xf32, #tpu.memory_space<vmem>>, vector<128x128xf32>
      tpu.vector_store %arg2[%swap3A, %swap3A_30], %add3A {strides = array<i32>} : memref<128x128xf32, #tpu.memory_space<vmem>>, vector<128x128xf32>,
    } else {
    }
    return
  }
  func.func @transform_0(%arg0: i32) -> (i32, i32, i32) {
    %c0_i32 = arith.constant 0 : i32
    %c0_i32_0 = arith.constant 0 : i32
    %c0_i32_1 = arith.constant 0 : i32
    return %arg0, %c0_i32, %c0_i32_0 : i32, i32, i32
  }
  func.func @transform_1(%arg0: i32) -> (i32, i32) {
    %c0_i32 = arith.constant 0 : i32
    %c0_i32_0 = arith.constant 0 : i32
    %c0_i32_1 = arith.constant 0 : i32
    return %c0_i32, %c0_i32_0 : i32, i32
  }
}

module attributes {stable_mosaic.version = 14 : i64} {
  func.func @_tc_pre_body(%arg0: memref<10000x128xf32, #tpu.memory_space<vmem>>, %arg1: memref<128x128xf32, #tpu.memory_space<vmem>>, %arg2: memref<128x128xf32, #tpu.memory_space<vmem>>, %arg3: memref<1x128xf32, #tpu.memory_space<vmem>>, %arg4: memref<10000x128xf32, #tpu.memory_space<vmem>>, %arg5: memref<10000x128xf32, #tpu.memory_space<vmem>>) attributes {dimension_semantics = [], scalar_prefetch = 0 : i64, scratch_operands = 0 : i64, tpu.core_type = #tpu.core_type<tc>} {
    %get3A = arith.constant 0 : index
    %get3A_0 = arith.constant 0 : index
    %get3A_1 = vector.load %arg0[%get3A, %get3A_0] : memref<10000x128xf32, #tpu.memory_space<vmem>>, vector<10000x128xf32>
    %get3A_2 = arith.constant 0 : index
    %get3A_3 = arith.constant 0 : index
    %get3A_4 = vector.load %arg1[%get3A_2, %get3A_3] : memref<128x128xf32, #tpu.memory_space<vmem>>, vector<128x128xf32>
    %dot_general3A = arith.constant dense<0.000000e+00> : vector<10000x128xf32>
    %dot_general3A_5 = tpu.matmul %get3A_1, %get3A_4, %dot_general3A {dimension_numbers = #tpu.dot_dimension_numbers<[1], [1], [0], [0], [0, 0, 1, 0], [], []>, transpose_lhs_hint = false} : vector<10000x128xf32>, vector<128x128xf32>, vector<10000x128xf32> -> vector<10000x128xf32>
    %swap3A = arith.constant 0 : index
    %swap3A_6 = arith.constant 0 : index
    %swap3A_7 = vector.load %arg4[%swap3A, %swap3A_6] : memref<10000x128xf32, #tpu.memory_space<vmem>>, vector<10000x128xf32>
    tpu.vector_store %arg4[%swap3A, %swap3A_6], %dot_general3A_5 {strides = array<i32>} : memref<10000x128xf32, #tpu.memory_space<vmem>>, vector<10000x128xf32>,
    %get3A_8 = arith.constant 0 : index
    %get3A_9 = arith.constant 0 : index
    %get3A_10 = vector.load %arg2[%get3A_8, %get3A_9] : memref<128x128xf32, #tpu.memory_space<vmem>>, vector<128x128xf32>
    %dot_general3A_11 = arith.constant dense<0.000000e+00> : vector<10000x128xf32>
    %dot_general3A_12 = tpu.matmul %get3A_1, %get3A_10, %dot_general3A_11 {dimension_numbers = #tpu.dot_dimension_numbers<[1], [1], [0], [0], [0, 0, 1, 0], [], []>, transpose_lhs_hint = false} : vector<10000x128xf32>, vector<128x128xf32>, vector<10000x128xf32> -> vector<10000x128xf32>
    %get3A_13 = arith.constant 0 : index
    %get3A_14 = arith.constant 0 : index
    %get3A_15 = vector.load %arg3[%get3A_13, %get3A_14] : memref<1x128xf32, #tpu.memory_space<vmem>>, vector<1x128xf32>
    %add3A = vector.broadcast %get3A_15 : vector<1x128xf32> to vector<10000x128xf32>
    %add3A_16 = arith.addf %dot_general3A_12, %add3A : vector<10000x128xf32>
    %swap3A_17 = arith.constant 0 : index
    %swap3A_18 = arith.constant 0 : index
    %swap3A_19 = vector.load %arg5[%swap3A_17, %swap3A_18] : memref<10000x128xf32, #tpu.memory_space<vmem>>, vector<10000x128xf32>
    tpu.vector_store %arg5[%swap3A_17, %swap3A_18], %add3A_16 {strides = array<i32>} : memref<10000x128xf32, #tpu.memory_space<vmem>>, vector<10000x128xf32>,
    return
  }
}

module attributes {stable_mosaic.version = 14 : i64} {
  func.func @_tc_mid_body(%arg0: memref<20480x128xf32, #tpu.memory_space<vmem>>, %arg1: memref<10000x1xf32, #tpu.memory_space<vmem>>, %arg2: memref<10000x128xf32, #tpu.memory_space<vmem>>, %arg3: memref<128x128xf32, #tpu.memory_space<vmem>>, %arg4: memref<128x128xf32, #tpu.memory_space<vmem>>, %arg5: memref<1x128xf32, #tpu.memory_space<vmem>>, %arg6: memref<10000x128xf32, #tpu.memory_space<vmem>>, %arg7: memref<10000x128xf32, #tpu.memory_space<vmem>>) attributes {dimension_semantics = [], scalar_prefetch = 0 : i64, scratch_operands = 0 : i64, tpu.core_type = #tpu.core_type<tc>} {
    %get3A = arith.constant 0 : index
    %get3A_0 = arith.constant 0 : index
    %get3A_1 = vector.load %arg0[%get3A, %get3A_0] : memref<20480x128xf32, #tpu.memory_space<vmem>>, vector<10000x128xf32>
    %get3A_2 = arith.constant 10240 : index
    %get3A_3 = arith.constant 0 : index
    %get3A_4 = vector.load %arg0[%get3A_2, %get3A_3] : memref<20480x128xf32, #tpu.memory_space<vmem>>, vector<10000x128xf32>
    %add3A = arith.addf %get3A_1, %get3A_4 : vector<10000x128xf32>
    %get3A_5 = arith.constant 0 : index
    %get3A_6 = arith.constant 0 : index
    %get3A_7 = vector.load %arg1[%get3A_5, %get3A_6] : memref<10000x1xf32, #tpu.memory_space<vmem>>, vector<10000x1xf32>
    %max3A = arith.constant 1.000000e+00 : f32
    %max3A_8 = vector.broadcast %max3A : f32 to vector<10000x1xf32>
    %max3A_9 = arith.maximumf %get3A_7, %max3A_8 : vector<10000x1xf32>
    %div3A = arith.constant 1.000000e+00 : f32
    %div3A_10 = vector.broadcast %div3A : f32 to vector<10000x1xf32>
    %div3A_11 = arith.divf %div3A_10, %max3A_9 : vector<10000x1xf32>
    %mul3A = vector.broadcast %div3A_11 : vector<10000x1xf32> to vector<10000x128xf32>
    %mul3A_12 = arith.mulf %add3A, %mul3A : vector<10000x128xf32>
    %get3A_13 = arith.constant 0 : index
    %get3A_14 = arith.constant 0 : index
    %get3A_15 = vector.load %arg2[%get3A_13, %get3A_14] : memref<10000x128xf32, #tpu.memory_space<vmem>>, vector<10000x128xf32>
    %add3A_16 = arith.addf %mul3A_12, %get3A_15 : vector<10000x128xf32>
    %max3A_17 = arith.constant 0.000000e+00 : f32
    %max3A_18 = vector.broadcast %max3A_17 : f32 to vector<10000x128xf32>
    %max3A_19 = arith.maximumf %add3A_16, %max3A_18 : vector<10000x128xf32>
    %get3A_20 = arith.constant 0 : index
    %get3A_21 = arith.constant 0 : index
    %get3A_22 = vector.load %arg3[%get3A_20, %get3A_21] : memref<128x128xf32, #tpu.memory_space<vmem>>, vector<128x128xf32>
    %dot_general3A = arith.constant dense<0.000000e+00> : vector<10000x128xf32>
    %dot_general3A_23 = tpu.matmul %max3A_19, %get3A_22, %dot_general3A {dimension_numbers = #tpu.dot_dimension_numbers<[1], [1], [0], [0], [0, 0, 1, 0], [], []>, transpose_lhs_hint = false} : vector<10000x128xf32>, vector<128x128xf32>, vector<10000x128xf32> -> vector<10000x128xf32>
    %swap3A = arith.constant 0 : index
    %swap3A_24 = arith.constant 0 : index
    %swap3A_25 = vector.load %arg6[%swap3A, %swap3A_24] : memref<10000x128xf32, #tpu.memory_space<vmem>>, vector<10000x128xf32>
    tpu.vector_store %arg6[%swap3A, %swap3A_24], %dot_general3A_23 {strides = array<i32>} : memref<10000x128xf32, #tpu.memory_space<vmem>>, vector<10000x128xf32>,
    %get3A_26 = arith.constant 0 : index
    %get3A_27 = arith.constant 0 : index
    %get3A_28 = vector.load %arg4[%get3A_26, %get3A_27] : memref<128x128xf32, #tpu.memory_space<vmem>>, vector<128x128xf32>
    %dot_general3A_29 = arith.constant dense<0.000000e+00> : vector<10000x128xf32>
    %dot_general3A_30 = tpu.matmul %max3A_19, %get3A_28, %dot_general3A_29 {dimension_numbers = #tpu.dot_dimension_numbers<[1], [1], [0], [0], [0, 0, 1, 0], [], []>, transpose_lhs_hint = false} : vector<10000x128xf32>, vector<128x128xf32>, vector<10000x128xf32> -> vector<10000x128xf32>
    %get3A_31 = arith.constant 0 : index
    %get3A_32 = arith.constant 0 : index
    %get3A_33 = vector.load %arg5[%get3A_31, %get3A_32] : memref<1x128xf32, #tpu.memory_space<vmem>>, vector<1x128xf32>
    %add3A_34 = vector.broadcast %get3A_33 : vector<1x128xf32> to vector<10000x128xf32>
    %add3A_35 = arith.addf %dot_general3A_30, %add3A_34 : vector<10000x128xf32>
    %swap3A_36 = arith.constant 0 : index
    %swap3A_37 = arith.constant 0 : index
    %swap3A_38 = vector.load %arg7[%swap3A_36, %swap3A_37] : memref<10000x128xf32, #tpu.memory_space<vmem>>, vector<10000x128xf32>
    tpu.vector_store %arg7[%swap3A_36, %swap3A_37], %add3A_35 {strides = array<i32>} : memref<10000x128xf32, #tpu.memory_space<vmem>>, vector<10000x128xf32>,
    return
  }
}

module attributes {stable_mosaic.version = 14 : i64} {
  func.func @_tc_post_body(%arg0: memref<20480x128xf32, #tpu.memory_space<vmem>>, %arg1: memref<10000x1xf32, #tpu.memory_space<vmem>>, %arg2: memref<10000x128xf32, #tpu.memory_space<vmem>>, %arg3: memref<10000x128xf32, #tpu.memory_space<vmem>>) attributes {dimension_semantics = [], scalar_prefetch = 0 : i64, scratch_operands = 0 : i64, tpu.core_type = #tpu.core_type<tc>} {
    %get3A = arith.constant 0 : index
    %get3A_0 = arith.constant 0 : index
    %get3A_1 = vector.load %arg0[%get3A, %get3A_0] : memref<20480x128xf32, #tpu.memory_space<vmem>>, vector<10000x128xf32>
    %get3A_2 = arith.constant 10240 : index
    %get3A_3 = arith.constant 0 : index
    %get3A_4 = vector.load %arg0[%get3A_2, %get3A_3] : memref<20480x128xf32, #tpu.memory_space<vmem>>, vector<10000x128xf32>
    %add3A = arith.addf %get3A_1, %get3A_4 : vector<10000x128xf32>
    %get3A_5 = arith.constant 0 : index
    %get3A_6 = arith.constant 0 : index
    %get3A_7 = vector.load %arg1[%get3A_5, %get3A_6] : memref<10000x1xf32, #tpu.memory_space<vmem>>, vector<10000x1xf32>
    %max3A = arith.constant 1.000000e+00 : f32
    %max3A_8 = vector.broadcast %max3A : f32 to vector<10000x1xf32>
    %max3A_9 = arith.maximumf %get3A_7, %max3A_8 : vector<10000x1xf32>
    %div3A = arith.constant 1.000000e+00 : f32
    %div3A_10 = vector.broadcast %div3A : f32 to vector<10000x1xf32>
    %div3A_11 = arith.divf %div3A_10, %max3A_9 : vector<10000x1xf32>
    %mul3A = vector.broadcast %div3A_11 : vector<10000x1xf32> to vector<10000x128xf32>
    %mul3A_12 = arith.mulf %add3A, %mul3A : vector<10000x128xf32>
    %get3A_13 = arith.constant 0 : index
    %get3A_14 = arith.constant 0 : index
    %get3A_15 = vector.load %arg2[%get3A_13, %get3A_14] : memref<10000x128xf32, #tpu.memory_space<vmem>>, vector<10000x128xf32>
    %add3A_16 = arith.addf %mul3A_12, %get3A_15 : vector<10000x128xf32>
    %swap3A = arith.constant 0 : index
    %swap3A_17 = arith.constant 0 : index
    %swap3A_18 = vector.load %arg3[%swap3A, %swap3A_17] : memref<10000x128xf32, #tpu.memory_space<vmem>>, vector<10000x128xf32>
    tpu.vector_store %arg3[%swap3A, %swap3A_17], %add3A_16 {strides = array<i32>} : memref<10000x128xf32, #tpu.memory_space<vmem>>, vector<10000x128xf32>,
    return
  }
}

</mosaic_0001>

<sc_bundles>
// kernel: kernel.11.cloned.1.call-start
scs
__scs_entry_jumppad:
0x0: {  	(pc) =	sbr.rel $0x88, $3  }
0x1: {  	(tag) =	ssettag $0x0;
	lr =	simm.s32 $0x1  }
0x2: {  	[smem:$0x3F99] =	sst lr;
	_ =	strace $0xD0000000  }
0x3: {  	_ = 	snop  }
0x4: {  	_ = 	snop  }
0x5: {  	_ = 	snop  }
0x6: {  	_ = 	snop  }
0x7: {  	_ = 	snop  }
__scs_overlays_trampoline_lowered:
0x8: {  	[smem:$0x3FA8] =	sst s0  }
0x9: {  	[smem:$0x3FA9] =	sst s1  }
0xa: {  	[smem:$0x3FAA] =	sst s2  }
0xb: {  	[smem:$0x3FAB] =	sst s3  }
0xc: {  	[smem:$0x3FAC] =	sst s4  }
0xd: {  	[smem:$0x3FAD] =	sst s5  }
0xe: {  	[smem:$0x3FAE] =	sst s6  }
0xf: {  	[smem:$0x3FAF] =	sst s7  }
0x10: {  	[smem:$0x3FB0] =	sst s8  }
0x11: {  	[smem:$0x3FB1] =	sst s9;
	s0 =	simm.s32 @!p0 $0x0  }
0x12: {  	s1 =	sld [smem:$0x3F97];
	s0 =	simm.s32 @p0 $0x1  }
0x13: {  	[smem:$0x3FB2] =	sst s0;
	s0 =	simm.s32 @!p1 $0x0  }
0x14: {  	s2 =	sld [smem:$0x3F96];
	s0 =	simm.s32 @p1 $0x1  }
0x15: {  	[smem:$0x3FB3] =	sst s0;
	s0 =	simm.s32 @!p2 $0x0  }
0x16: {  	s3 =	sld [smem:$0x3FDB];
	s0 =	simm.s32 @p2 $0x1  }
0x17: {  	s4 =	simm.s32 $0x1BF5;
	[smem:$0x3FB5] =	sst s0  }
0x18: {  	s0 =	sld [smem:$0x3F98];
	_ =	swait.ge [sflag:s4], $0x0  }
0x19: {  	s7 =	sld [smem:$0x3F99]  }
0x1a: {  	s8 =	sadd.s32 $0xFFFFE003, lr  }
0x1b: {  	s9 =	sadd.s32 $0xFFFFFEF7, lr;
	s5 =	simm.s32 $0xFFFFFFFF;
	p2 =	slt.u32 s8, $0xFFFFF086  }
0x1c: {  	p1 =	slt.u32 s9, $0xF7A;
	s5 =	simm.s32 @!p2 $0x0  }
0x1d: {  	s5 =	simm.s32 @p1 $0x1;
	p0 =	seq.s32 s7, s2  }
0x1e: {  	s7 =	smul.u32 @!p0 $0xF7A, s2;
	p2 =	seq.s32 @!p0 s5, $0x0  }
0x1f: {  	s9 =	smul.u32 $0xF7A, s1;
	s8 =	simm.s32 @!p0 $0x1BF5;
	p2 =	por !p2, p0  }
0x20: {  	[sflag:s8] =	ssyncset.s32 @!p0 $0xFFFFF086;
	s6 =	sadd.s32 @!p0 s3, s7;
	s7 =	simm.s32 @!p0 $0x108  }
0x21: {  	s3 =	sadd.s32 s3, s9;
	s6 =	sadd.s32 @!p0 $0x88, s6;
	s7 =	simm.s32 @p2 $0x1082  }
0x22: {  	[simem:s7], [sflag:s8] =	dma.local @!p0 [hbm:s6], $0xF7A  }
0x23: {  	s9 =	sor.u32 $0xD0000000, s2;
	s6 =	simm.s32 $0x108;
	_ =	swait.ge @!p0 [sflag:s8], $0x0  }
0x24: {  	s3 =	sadd.s32 $0x88, s3;
	s6 =	simm.s32 @!p1 $0x1082;
	[sflag:s4] =	ssyncset.s32 $0xFFFFF086  }
0x25: {  	[simem:s6], [sflag:s4] =	dma.local [hbm:s3], $0xF7A  }
0x26: {  	[smem:$0x3F99] =	sst s1;
	(tag) =	ssettag s2;
	_ =	strace s9  }
0x27: {  	s1 =	sld [smem:$0x3FA9]  }
0x28: {  	s2 =	sld [smem:$0x3FAA]  }
0x29: {  	s4 =	sld [smem:$0x3FAC]  }
0x2a: {  	p0 =	seq.s32 s5, $0x0;
	s5 =	sld [smem:$0x3FAD]  }
0x2b: {  	s6 =	sld [smem:$0x3FAE]  }
0x2c: {  	s7 =	sld [smem:$0x3FAF]  }
0x2d: {  	s3 =	simm.s32 $0x108;
	s8 =	sld [smem:$0x3FB0]  }
0x2e: {  	s3 =	simm.s32 @!p0 $0x1082;
	s9 =	sld [smem:$0x3FB1]  }
0x2f: {  	lr =	sadd.s32 s0, s3;
	s0 =	sld [smem:$0x3FA8]  }
0x30: {  	s3 =	sld [smem:$0x3FAB]  }
0x31: {  	[smem:$0x3FB4] =	sst s10  }
0x32: {  	s10 =	sld [smem:$0x3FB2];
	_ =	sdelay $0x3  }
0x33: {  	p0 =	seq.s32 s10, $0x1;
	s10 =	sld [smem:$0x3FB4];
	_ =	sdelay $0x3  }
0x34: {  	[smem:$0x3FB4] =	sst s10  }
0x35: {  	s10 =	sld [smem:$0x3FB3];
	_ =	sdelay $0x3  }
0x36: {  	p1 =	seq.s32 s10, $0x1;
	s10 =	sld [smem:$0x3FB4];
	_ =	sdelay $0x3  }
0x37: {  	[smem:$0x3FB4] =	sst s10  }
0x38: {  	s10 =	sld [smem:$0x3FB5]  }
0x39: {  	_ = 	snop;
	(pc) =	sbr.ind lr, $3  }
0x3a: {  	_ = 	snop  }
0x3b: {  	_ = 	snop  }
0x3c: {  	p2 =	seq.s32 s10, $0x1;
	s10 =	sld [smem:$0x3FB4]  }
0x3d: {  	_ =	shalt  }
0x3e: {  	_ =	shalt  }
0x3f: {  	_ =	shalt  }
0x40: {  	_ =	shalt  }
0x41: {  	_ =	shalt  }
0x42: {  	_ =	shalt  }
0x43: {  	_ =	shalt  }
0x44: {  	_ =	shalt  }
0x45: {  	_ =	shalt  }
0x46: {  	_ =	shalt  }
0x47: {  	_ =	shalt  }
0x48: {  	_ =	shalt  }
0x49: {  	_ =	shalt  }
0x4a: {  	_ =	shalt  }
0x4b: {  	_ =	shalt  }
0x4c: {  	_ =	shalt  }
0x4d: {  	_ =	shalt  }
0x4e: {  	_ =	shalt  }
0x4f: {  	_ =	shalt  }
0x50: {  	_ =	shalt  }
0x51: {  	_ =	shalt  }
0x52: {  	_ =	shalt  }
0x53: {  	_ =	shalt  }
0x54: {  	_ =	shalt  }
0x55: {  	_ =	shalt  }
0x56: {  	_ =	shalt  }
0x57: {  	_ =	shalt  }
0x58: {  	_ =	shalt  }
0x59: {  	_ =	shalt  }
0x5a: {  	_ =	shalt  }
0x5b: {  	_ =	shalt  }
0x5c: {  	_ =	shalt  }
0x5d: {  	_ =	shalt  }
0x5e: {  	_ =	shalt  }
0x5f: {  	_ =	shalt  }
0x60: {  	_ =	shalt  }
0x61: {  	_ =	shalt  }
0x62: {  	_ =	shalt  }
0x63: {  	_ =	shalt  }
0x64: {  	_ =	shalt  }
0x65: {  	_ =	shalt  }
0x66: {  	_ =	shalt  }
0x67: {  	_ =	shalt  }
0x68: {  	_ =	shalt  }
0x69: {  	_ =	shalt  }
0x6a: {  	_ =	shalt  }
0x6b: {  	_ =	shalt  }
0x6c: {  	_ =	shalt  }
0x6d: {  	_ =	shalt  }
0x6e: {  	_ =	shalt  }
0x6f: {  	_ =	shalt  }
0x70: {  	_ =	shalt  }
0x71: {  	_ =	shalt  }
0x72: {  	_ =	shalt  }
0x73: {  	_ =	shalt  }
0x74: {  	_ =	shalt  }
0x75: {  	_ =	shalt  }
0x76: {  	_ =	shalt  }
0x77: {  	_ =	shalt  }
0x78: {  	_ =	shalt  }
0x79: {  	_ =	shalt  }
0x7a: {  	_ =	shalt  }
0x7b: {  	_ =	shalt  }
0x7c: {  	_ =	shalt  }
0x7d: {  	_ =	shalt  }
0x7e: {  	_ =	shalt  }
0x7f: {  	_ =	shalt  }
0x80: {  	_ =	shalt  }
0x81: {  	_ =	shalt  }
0x82: {  	_ =	shalt  }
0x83: {  	_ =	shalt  }
0x84: {  	_ =	shalt  }
0x85: {  	_ =	shalt  }
0x86: {  	_ =	shalt  }
0x87: {  	_ =	shalt  }
.Lfunc_end0:
.L_simem_size_0:
called_computation.1_lowered:
.L_overlay_start_0:
0x88: {  	s2 =	sld [smem:$0x3FD9]  }
0x89: {  	s3 =	sld [smem:$0x3FFE];
	_ =	sdelay $0x1  }
0x8a: {  	s1 =	srdreg.scid  }
0x8b: {  	s0 =	sand.u32 $0x1, s1  }
0x8c: {  	s17 =	sshll.u32 s0, $0xA;
	s2 =	sadd.s32 s3, s2  }
0x8d: {  	s2 =	sadd.s32 s2, s17  }
0x8e: {  	[smem:$0x3FC0] =	sst s2  }
0x8f: {  	_ = 	snop  }
0x90: {  	s2 =	sld [smem:$0x3FC8]  }
0x91: {  	s18 =	sld [smem:$0x3FD0];
	(tm) =	ssettm $0x1  }
0x92: {  	s4 =	sld [smem:$0x3FFB];
	_ =	sdelay $0x3  }
0x93: {  	_ =	strace s4  }
0x94: {  	s4 =	sld [smem:$0x3FFC];
	_ =	sdelay $0x3  }
0x95: {  	_ =	strace s4  }
0x96: {  	s4 =	sld [smem:$0x3FFD];
	_ =	sdelay $0x3  }
0x97: {  	_ =	strace s4  }
0x98: {  	_ =	strace $0x8FFFFFFF  }
0x99: {  	s19 =	sld [smem:$0x3FDB];
	_ =	sdelay $0x1  }
0x9a: {  	s5 =	simm.s32 $_scs_section_size  }
0x9b: {  	s6 =	simm.s32 $_size__tile_overlayer_lowered;
	s7 =	simm.s32 $_tile_overlayer_lowered  }
0x9c: {  	s22 =	simm.s32 $0x1BFF;
	s21 =	sshll.u32 s7, $0x1;
	s4 =	sadd.s32 s5, s19  }
0x9d: {  	s8 =	simm.s32 $0x0;
	s20 =	sshll.u32 s6, $0x1;
	s6 =	sadd.s32 s21, s4  }
0x9e: {  	[timem:s8], [sflag:s22] =	dma.local [hbm:s6], s20  }
0x9f: {  	_ =	swait.ge [sflag:s22], s20  }
0xa0: {  	s5 =	ssub.s32 $0x0, s20;
	[sflag:s22] =	ssyncset.done $0x0  }
0xa1: {  	[sflag:s22] =	ssyncadd.s32 s5;
	_ =	sdelay $0x1  }
0xa2: {  	s23 =	simm.s32 $0x1B8B  }
0xa3: {  	_ =	swait.ge [sflag:s23], $0x1  }
0xa4: {  	[sflag:s23] =	ssyncset.done $0x0  }
0xa5: {  	s25 =	simm.s32 $0x1B8E;
	s24 =	sld [smem:$0x3FFE];
	[sflag:s23] =	ssyncadd.s32 $0xFFFFFFFF  }
0xa6: {  	s26 =	simm.s32 $execute0_lowered;
	[smem:$0x3FD2] =	sst s25  }
0xa7: {  	s6 =	sshll.u32 s26, $0x1;
	_ =	strace $0x80000049;
	[dreg:$0x1] =	wrdreg $0xFFFFFFFF  }
0xa8: {  	s28 =	simm.s32 $_size_execute0_lowered;
	s4 =	sadd.s32 s4, s6;
	[dreg:$0x0] =	wrdreg $0x0  }
0xa9: {  	s6 =	sshll.u32 s28, $0x1;
	[dreg:$0x2] =	wrdreg s4  }
0xaa: {  	[dreg:$0x3] =	wrdreg s6  }
0xab: {  	[dreg:$0x4] =	wrdreg $0xC0  }
0xac: {  	_ =	task [dreg:s8], $0x5FFFF  }
0xad: {  	[dreg:$0x1] =	wrdreg $0xFFFFFFFF  }
0xae: {  	[dreg:$0x0] =	wrdreg $0x60  }
0xaf: {  	[dreg:$0x2] =	wrdreg s18  }
0xb0: {  	[dreg:$0x3] =	wrdreg s2  }
0xb1: {  	[dreg:$0x4] =	wrdreg s24  }
0xb2: {  	[dreg:$0x5] =	wrdreg $0x82000  }
0xb3: {  	[dreg:$0x6] =	wrdreg $0x9  }
0xb4: {  	_ =	task.clear_ibuf [dreg:s8], $0x7FFFF;
	_ =	strace $0x90000049  }
0xb5: {  	s29 =	simm.s32 $0x9;
	_ =	strace $0x8000004B  }
0xb6: {  	_ =	swait.ge [sflag:s29], $0x1  }
0xb7: {  	[sflag:s29] =	ssyncadd.s32 $0xFFFFFFFF  }
0xb8: {  	_ =	strace $0x9000004B  }
0xb9: {  	_ =	sfence  }
0xba: {  	s30 =	sld [smem:$0x0];
	_ =	sdelay $0x2  }
0xbb: {  	s31 =	sshll.u32 s1, $0xD;
	s1 =	sshrl.u32 s1, $0x2  }
0xbc: {  	s3 =	sand.u32 $0x4000, s31;
	s1 =	sadd.s32 s1, s30  }
0xbd: {  	s0 =	sor.u32 s3, s0;
	s1 =	sshll.u32 s1, $0x11  }
0xbe: {  	s0 =	sor.u32 s1, s0  }
0xbf: {  	s0 =	sadd.s32 $0x8F2B, s0  }
0xc0: {  	[sflag:s0] =	ssyncadd.remote.s32 $0x1  }
0xc1: {  	_ =	sfence.sel $0xFFFF  }
0xc2: {  	[dreg:$0x0] =	wrdreg $0xFFFFFFFF;
	(pc) =	sbr.abs _section_cstart, $3  }
0xc3: {  	[dreg:$0x1] =	wrdreg $0xFFFFFFFF  }
0xc4: {  	_ =	task.clear_ibuf [dreg:s8], $0x2FFFF;
	_ =	strace $0x9FFFFFFF  }
0xc5: {  	(tm) =	ssettm $0x7FFFFFFF  }
tec
execute0_lowered:
.L_overlay_start_1:
0x0: {  	(tag) =	ssettag $0x1  }
0x1: {  	s1 =	rddreg [dreg:$0x0]  }
0x2: {  	s0 =	rddreg [dreg:$0x1]  }
0x3: {  	s6 =	rddreg [dreg:$0x2]  }
0x4: {  	s2 =	rddreg [dreg:$0x3]  }
0x5: {  	s3 =	simm.s32 $0x0;
	s7 =	srdreg.scid;
	s15 =	stileid.u32  }
0x6: {  	s28 =	simm.s32 $0x2;
	s29 =	simm.s32 $0x4180;
	s30 =	simm.s32 $0x0  }
0x7: {  	[smem:$0x7FF] =	sst s3;
	s4 =	sadd.s32 $0x2200, s6;
	s17 =	smul.u32 $0x50000, s15  }
0x8: {  	s19 =	sand.u32 $0x1, s7;
	s18 =	sadd.s32 $0x2A00, s6;
	s13 =	smul.u32 $0x280, s15  }
0x9: {  	_ =	strace $0x8000004A;
	[dreg:$0x5] =	wrdreg s4;
	s16 =	ssub.s32 $0x2, s19  }
0xa: {  	s9 =	sshll.u32 s19, $0x4;
	s31 =	sshll.u32 s19, $0x9;
	s8 =	sshrl.u32 s16, $0x1  }
0xb: {  	s25 =	sor.u32 s15, s9;
	s21 =	sshrl.u32 s17, $0x2;
	s14 =	sadd.s32 $0x80, s13  }
0xc: {  	s17 =	sadd.s32 $0x180, s13;
	s15 =	sshll.u32 s15, $0x5;
	s20 =	ssub.s32 s16, s8  }
0xd: {  	s6 =	sadd.s32 s21, s2;
	s16 =	sadd.s32 $0x100, s13;
	s22 =	sshll.u32 s14, $0x7  }
0xe: {  	s24 =	sshll.u32 s17, $0x7;
	s21 =	sadd.s32 $0x200, s13;
	s10 =	sshll.u32 s25, $0x5  }
0xf: {  	p0 =	sgt.u32 s25, $0x3;
	s25 =	simm.s32 $0x4200;
	s23 =	sshll.u32 s16, $0x7  }
0x10: {  	s7 =	sadd.s32 s22, s2;
	s9 =	sadd.s32 s24, s2;
	s11 =	sshll.u32 s21, $0x7  }
0x11: {  	s10 =	sadd.s32 s0, s10;
	s22 =	smul.u32 $0x2800, s19;
	s0 =	sadd.s32 s15, s0  }
0x12: {  	s19 =	smax.u32 s20, $0x1;
	s24 =	simm.s32 $0x80;
	s8 =	sadd.s32 s23, s2  }
0x13: {  	s11 =	sadd.s32 s11, s2;
	s5 =	sadd.s32 $0x13400, s10;
	s20 =	sadd.s32 s31, s0  }
0x14: {  	[dreg:$0x6] =	wrdreg s5;
	s26 =	sadd.s32 s13, s22;
	s14 =	sadd.s32 s22, s14  }
0x15: {  	s13 =	sadd.s32 $0x13800, s0;
	s16 =	sadd.s32 s22, s16;
	s17 =	sadd.s32 s22, s17  }
0x16: {  	s21 =	sadd.s32 s22, s21;
	s22 =	simm.s32 $0x3;
	s15 =	sshll.u32 s26, $0x4  }
0x17: {  	s23 =	sshll.u32 s14, $0x4;
	s16 =	sshll.u32 s16, $0x4;
	s17 =	sshll.u32 s17, $0x4  }
0x18: {  	s21 =	sshll.u32 s21, $0x4;
	s26 =	simm.s32 $0x1;
	s14 =	sadd.s32 s18, s15  }
0x19: {  	s15 =	sadd.s32 s18, s23;
	s16 =	sadd.s32 s18, s16;
	s17 =	sadd.s32 s18, s17  }
0x1a: {  	s18 =	sadd.s32 s18, s21;
	s21 =	simm.s32 $0x100;
	s23 =	simm.s32 $0x4100  }
.LBB2_1:
0x1b: {  	s0 =	rddreg [dreg:$0x5]  }
0x1c: {  	[tilespmem:s21], [sflag:$0x3] =	stream.linear.gather [hbm4b:s0+s3], $0x4000, $0x38;
	[tilespmem:$0x1C200] =	vst v63  }
0x1d: {  	_ =	swait.ge [sflag:s22], $0x4000  }
0x1e: {  	[sflag:s22] =	ssyncset.done $0x0  }
0x1f: {  	[sflag:s22] =	ssyncadd.s32 $0xFFFFC000  }
0x20: {  	[spmem:s6] =	stream.linear.scatter [tilespmem:s21], [sflag:$0x1], $0x4000, $0x38;
	[tilespmem:$0x1C200] =	vst v63  }
0x21: {  	_ = 	snop  }
0x22: {  	[spmem:s7] =	stream.linear.scatter [tilespmem:s21], [sflag:$0x1], $0x4000, $0x38;
	[tilespmem:$0x1C200] =	vst v63  }
0x23: {  	_ = 	snop  }
0x24: {  	[spmem:s8] =	stream.linear.scatter [tilespmem:s21], [sflag:$0x1], $0x4000, $0x38;
	[tilespmem:$0x1C200] =	vst v63  }
0x25: {  	_ = 	snop  }
0x26: {  	[spmem:s9] =	stream.linear.scatter [tilespmem:s21], [sflag:$0x1], $0x4000, $0x38;
	[tilespmem:$0x1C200] =	vst v63  }
0x27: {  	_ = 	snop  }
0x28: {  	[spmem:s11] =	stream.linear.scatter [tilespmem:s21], [sflag:$0x1], $0x4000, $0x38;
	[tilespmem:$0x1C200] =	vst v63  }
0x29: {  	_ = 	snop  }
0x2a: {  	[tilespmem:s23], [sflag:$0x3] =	stream.linear.gather [hbm4b:s10+s3], $0x100, $0x38;
	[tilespmem:$0x1C200] =	vst v63  }
0x2b: {  	_ =	swait.ge [sflag:s22], $0x100  }
0x2c: {  	[sflag:s22] =	ssyncset.done $0x0  }
0x2d: {  	[sflag:s22] =	ssyncadd.s32 $0xFFFFFF00  }
0x2e: {  	[tilespmem:s25], [sflag:$0x2] =	stream.indirect.gather [hbm4b:s1+s24], $0x80, s23, s24, $0xb8;
	[tilespmem:$0x1C200] =	vst v63  }
0x2f: {  	_ =	swait.ge [sflag:s26], $0x4000  }
0x30: {  	[sflag:s26] =	ssyncset.done $0x0  }
0x31: {  	[sflag:s26] =	ssyncadd.s32 $0xFFFFC000  }
0x32: {  	_ =	swait.ge [sflag:s26], $0x4000  }
0x33: {  	[sflag:s26] =	ssyncset.done $0x0  }
0x34: {  	[sflag:s26] =	ssyncadd.s32 $0xFFFFC000  }
0x35: {  	_ =	swait.ge [sflag:s26], $0x4000  }
0x36: {  	[sflag:s26] =	ssyncset.done $0x0  }
0x37: {  	[sflag:s26] =	ssyncadd.s32 $0xFFFFC000  }
0x38: {  	_ =	swait.ge [sflag:s26], $0x4000  }
0x39: {  	[sflag:s26] =	ssyncset.done $0x0  }
0x3a: {  	[sflag:s26] =	ssyncadd.s32 $0xFFFFC000  }
0x3b: {  	_ =	swait.ge [sflag:s26], $0x4000  }
0x3c: {  	[sflag:s26] =	ssyncset.done $0x0  }
0x3d: {  	s12 =	sadd.s32 $0xFFFED000, s20;
	[sflag:s26] =	ssyncadd.s32 $0xFFFFC000  }
0x3e: {  	s31 =	sadd.s32 $0x13400, s12;
	[bflag:$0x0] =	sbarrier.arrive $0xFFFF  }
0x3f: {  	[tilespmem:s3], [sflag:$0x3] =	stream.linear.gather [hbm4b:s31+s3], $0x100, $0x38;
	[tilespmem:$0x1C200] =	vst v63  }
0x40: {  	_ =	swait.ge [sflag:s22], $0x100  }
0x41: {  	[sflag:s22] =	ssyncset.done $0x0  }
0x42: {  	[sflag:s22] =	ssyncadd.s32 $0xFFFFFF00  }
0x43: {  	[tilespmem:s21], [sflag:$0x1] =	stream.indirect.gather [hbm4b:s1+s24], $0x80, s3, s24, $0xb8;
	[tilespmem:$0x1C200] =	vst v63  }
0x44: {  	_ =	swait.ge [sflag:s28], $0x4000  }
0x45: {  	[sflag:s28] =	ssyncset.done $0x0  }
0x46: {  	[sflag:s28] =	ssyncadd.s32 $0xFFFFC000  }
0x47: {  	[spmem:s2] =	stream.indirect.scatter.add.f32 [tilespmem:s25], [sflag:$0x3], $0x80, s29, s24, $0xb8;
	[tilespmem:$0x1C200] =	vst v63  }
0x48: {  	_ =	swait.ge [sflag:s22], $0x4000  }
0x49: {  	[sflag:s22] =	ssyncset.done $0x0  }
0x4a: {  	s0 =	sadd.s32 $0x13800, s12;
	[sflag:s22] =	ssyncadd.s32 $0xFFFFC000  }
0x4b: {  	[tilespmem:s23], [sflag:$0x3] =	stream.linear.gather [hbm4b:s0+s3], $0x100, $0x38;
	[tilespmem:$0x1C200] =	vst v63  }
0x4c: {  	_ =	swait.ge [sflag:s22], $0x100  }
0x4d: {  	[sflag:s22] =	ssyncset.done $0x0  }
0x4e: {  	[sflag:s22] =	ssyncadd.s32 $0xFFFFFF00  }
0x4f: {  	[tilespmem:s25], [sflag:$0x2] =	stream.indirect.gather [hbm4b:s1+s24], $0x80, s23, s24, $0xb8;
	[tilespmem:$0x1C200] =	vst v63  }
0x50: {  	_ =	swait.ge [sflag:s26], $0x4000  }
0x51: {  	[sflag:s26] =	ssyncset.done $0x0  }
0x52: {  	[sflag:s26] =	ssyncadd.s32 $0xFFFFC000  }
0x53: {  	[spmem:s2] =	stream.indirect.scatter.add.f32 [tilespmem:s21], [sflag:$0x3], $0x80, s24, s24, $0xb8;
	[tilespmem:$0x1C200] =	vst v63  }
0x54: {  	_ =	swait.ge [sflag:s22], $0x4000  }
0x55: {  	s31 =	sadd.s32 $0xFFFED800, s20;
	s0 =	simm.s32 $0xFFFEE000;
	[sflag:s22] =	ssyncset.done $0x0  }
.LBB2_2:
0x56: {  	s4 =	sadd.s32 $0x13400, s31  }
0x57: {  	[sflag:s22] =	ssyncadd.s32 $0xFFFFC000;
	s5 =	smov.u32 s0;
	s12 =	sadd.s32 $0x800, s0  }
0x58: {  	[tilespmem:s3], [sflag:$0x3] =	stream.linear.gather [hbm4b:s4+s3], $0x100, $0x38;
	[tilespmem:$0x1C200] =	vst v63  }
0x59: {  	p1 =	sne.s32 s0, $0xFFFFF800;
	_ =	swait.ge [sflag:s22], $0x100  }
0x5a: {  	[sflag:s22] =	ssyncset.done $0x0  }
0x5b: {  	[sflag:s22] =	ssyncadd.s32 $0xFFFFFF00  }
0x5c: {  	[tilespmem:s21], [sflag:$0x1] =	stream.indirect.gather [hbm4b:s1+s24], $0x80, s3, s24, $0xb8;
	[tilespmem:$0x1C200] =	vst v63  }
0x5d: {  	_ =	swait.ge [sflag:s28], $0x4000  }
0x5e: {  	[sflag:s28] =	ssyncset.done $0x0  }
0x5f: {  	[sflag:s28] =	ssyncadd.s32 $0xFFFFC000  }
0x60: {  	[spmem:s2] =	stream.indirect.scatter.add.f32 [tilespmem:s25], [sflag:$0x3], $0x80, s29, s24, $0xb8;
	[tilespmem:$0x1C200] =	vst v63  }
0x61: {  	_ =	swait.ge [sflag:s22], $0x4000  }
0x62: {  	[sflag:s22] =	ssyncset.done $0x0  }
0x63: {  	s0 =	sadd.s32 $0x13800, s31;
	[sflag:s22] =	ssyncadd.s32 $0xFFFFC000  }
0x64: {  	[tilespmem:s23], [sflag:$0x3] =	stream.linear.gather [hbm4b:s0+s3], $0x100, $0x38;
	[tilespmem:$0x1C200] =	vst v63  }
0x65: {  	_ =	swait.ge [sflag:s22], $0x100  }
0x66: {  	[sflag:s22] =	ssyncset.done $0x0  }
0x67: {  	[sflag:s22] =	ssyncadd.s32 $0xFFFFFF00  }
0x68: {  	[tilespmem:s25], [sflag:$0x2] =	stream.indirect.gather [hbm4b:s1+s24], $0x80, s23, s24, $0xb8;
	[tilespmem:$0x1C200] =	vst v63  }
0x69: {  	_ =	swait.ge [sflag:s26], $0x4000  }
.Ltmp0:
0x6a: {  	[sflag:s26] =	ssyncset.done $0x0;
	(pc) =	sbr.rel @p1 .LBB2_2-.Ltmp0, $4  }
0x6b: {  	[sflag:s26] =	ssyncadd.s32 $0xFFFFC000  }
0x6c: {  	[spmem:s2] =	stream.indirect.scatter.add.f32 [tilespmem:s21], [sflag:$0x3], $0x80, s24, s24, $0xb8;
	[tilespmem:$0x1C200] =	vst v63  }
0x6d: {  	_ =	swait.ge [sflag:s22], $0x4000  }
0x6e: {  	s31 =	sadd.s32 s5, s20;
	s0 =	smov.u32 s12;
	[sflag:s22] =	ssyncset.done $0x0  }
0x6f: {  	s0 =	sadd.s32 $0x13400, s31;
	[sflag:s22] =	ssyncadd.s32 $0xFFFFC000  }
0x70: {  	[tilespmem:s3], [sflag:$0x3] =	stream.linear.gather [hbm4b:s0+s3], $0x100, $0x38;
	[tilespmem:$0x1C200] =	vst v63  }
0x71: {  	_ =	swait.ge [sflag:s22], $0x100  }
0x72: {  	[sflag:s22] =	ssyncset.done $0x0  }
0x73: {  	[sflag:s22] =	ssyncadd.s32 $0xFFFFFF00  }
0x74: {  	[tilespmem:s21], [sflag:$0x1] =	stream.indirect.gather [hbm4b:s1+s24], $0x80, s3, s24, $0xb8;
	[tilespmem:$0x1C200] =	vst v63  }
0x75: {  	_ =	swait.ge [sflag:s28], $0x4000  }
0x76: {  	[sflag:s28] =	ssyncset.done $0x0  }
0x77: {  	[sflag:s28] =	ssyncadd.s32 $0xFFFFC000  }
0x78: {  	[spmem:s2] =	stream.indirect.scatter.add.f32 [tilespmem:s25], [sflag:$0x3], $0x80, s29, s24, $0xb8;
	[tilespmem:$0x1C200] =	vst v63  }
0x79: {  	_ =	swait.ge [sflag:s22], $0x4000  }
0x7a: {  	[sflag:s22] =	ssyncset.done $0x0  }
0x7b: {  	s31 =	sadd.s32 $0x13800, s31;
	[sflag:s22] =	ssyncadd.s32 $0xFFFFC000  }
0x7c: {  	[tilespmem:s23], [sflag:$0x3] =	stream.linear.gather [hbm4b:s31+s3], $0x100, $0x38;
	[tilespmem:$0x1C200] =	vst v63  }
0x7d: {  	_ =	swait.ge [sflag:s22], $0x100  }
0x7e: {  	[sflag:s22] =	ssyncset.done $0x0  }
0x7f: {  	[sflag:s22] =	ssyncadd.s32 $0xFFFFFF00  }
0x80: {  	[tilespmem:s25], [sflag:$0x2] =	stream.indirect.gather [hbm4b:s1+s24], $0x80, s23, s24, $0xb8;
	[tilespmem:$0x1C200] =	vst v63  }
0x81: {  	_ =	swait.ge [sflag:s26], $0x4000  }
0x82: {  	[sflag:s26] =	ssyncset.done $0x0  }
0x83: {  	[sflag:s26] =	ssyncadd.s32 $0xFFFFC000  }
0x84: {  	[spmem:s2] =	stream.indirect.scatter.add.f32 [tilespmem:s21], [sflag:$0x3], $0x80, s24, s24, $0xb8;
	[tilespmem:$0x1C200] =	vst v63  }
0x85: {  	_ =	swait.ge [sflag:s22], $0x4000  }
0x86: {  	[sflag:s22] =	ssyncset.done $0x0  }
0x87: {  	s4 =	rddreg [dreg:$0x6];
	[sflag:s22] =	ssyncadd.s32 $0xFFFFC000  }
0x88: {  	[tilespmem:s3], [sflag:$0x3] =	stream.linear.gather [hbm4b:s4+s3], $0x100, $0x38;
	[tilespmem:$0x1C200] =	vst v63  }
0x89: {  	_ =	swait.ge [sflag:s22], $0x100  }
0x8a: {  	[sflag:s22] =	ssyncset.done $0x0  }
0x8b: {  	[sflag:s22] =	ssyncadd.s32 $0xFFFFFF00  }
0x8c: {  	[tilespmem:s21], [sflag:$0x1] =	stream.indirect.gather [hbm4b:s1+s24], $0x80, s3, s24, $0xb8;
	[tilespmem:$0x1C200] =	vst v63  }
0x8d: {  	_ =	swait.ge [sflag:s28], $0x4000  }
0x8e: {  	[sflag:s28] =	ssyncset.done $0x0  }
0x8f: {  	[sflag:s28] =	ssyncadd.s32 $0xFFFFC000  }
0x90: {  	[spmem:s2] =	stream.indirect.scatter.add.f32 [tilespmem:s25], [sflag:$0x3], $0x80, s29, s24, $0xb8;
	[tilespmem:$0x1C200] =	vst v63  }
0x91: {  	_ =	swait.ge [sflag:s22], $0x4000  }
0x92: {  	[sflag:s22] =	ssyncset.done $0x0  }
0x93: {  	[sflag:s22] =	ssyncadd.s32 $0xFFFFC000  }
0x94: {  	_ =	swait.ge [sflag:s26], $0x4000  }
0x95: {  	[sflag:s26] =	ssyncset.done $0x0  }
0x96: {  	[sflag:s26] =	ssyncadd.s32 $0xFFFFC000  }
0x97: {  	[spmem:s2] =	stream.indirect.scatter.add.f32 [tilespmem:s21], [sflag:$0x3], $0x80, s24, s24, $0xb8;
	[tilespmem:$0x1C200] =	vst v63  }
0x98: {  	_ =	swait.ge [sflag:s22], $0x4000  }
0x99: {  	[sflag:s22] =	ssyncset.done $0x0  }
0x9a: {  	s0 =	simm.s32 @!p0 $0x0;
	s4 =	simm.s32 @!p0 $0x3;
	[sflag:s22] =	ssyncadd.s32 $0xFFFFC000  }
0x9b: {  	[tilespmem:s0], [sflag:$0x3] =	stream.linear.gather @!p0 [hbm4b:s13+s0], $0x100, $0x38;
	[tilespmem:$0x1C200] =	vst v63  }
0x9c: {  	_ =	swait.ge @!p0 [sflag:s4], $0x100  }
0x9d: {  	[sflag:s4] =	ssyncset.done @!p0 $0x0  }
0x9e: {  	s5 =	simm.s32 @!p0 $0x80;
	s12 =	simm.s32 @!p0 $0x100;
	[sflag:s4] =	ssyncadd.s32 @!p0 $0xFFFFFF00  }
0x9f: {  	[tilespmem:s12], [sflag:$0x1] =	stream.indirect.gather @!p0 [hbm4b:s1+s5], $0x80, s0, s5, $0xb8;
	[tilespmem:$0x1C200] =	vst v63  }
0xa0: {  	s0 =	simm.s32 @!p0 $0x1  }
0xa1: {  	_ =	swait.ge @!p0 [sflag:s0], $0x4000  }
0xa2: {  	[sflag:s0] =	ssyncset.done @!p0 $0x0  }
0xa3: {  	[sflag:s0] =	ssyncadd.s32 @!p0 $0xFFFFC000  }
0xa4: {  	[spmem:s2] =	stream.indirect.scatter.add.f32 @!p0 [tilespmem:s12], [sflag:$0x3], $0x80, s5, s5, $0xb8;
	[tilespmem:$0x1C200] =	vst v63  }
0xa5: {  	_ =	swait.ge @!p0 [sflag:s4], $0x4000  }
0xa6: {  	s5 =	stileid.u32;
	[sflag:s4] =	ssyncset.done @!p0 $0x0  }
0xa7: {  	s31 =	sshrl.u32 s7, $0x3;
	s0 =	sshll.u32 s5, $0x6;
	[sflag:s4] =	ssyncadd.s32 @!p0 $0xFFFFC000  }
0xa8: {  	s12 =	sshrl.u32 s6, $0x3;
	s0 =	sor.u32 $0x1C01, s0;
	[bflag:$0x0] =	sbarrier.arrive $0xFFFF  }
0xa9: {  	[hbm:s14], [sflag:s0] =	dma.local [spmem:s12], $0x800  }
0xaa: {  	[hbm:s15], [sflag:s0] =	dma.local [spmem:s31], $0x800  }
0xab: {  	s5 =	sshrl.u32 s8, $0x3;
	s12 =	sshrl.u32 s9, $0x3;
	s31 =	sshrl.u32 s11, $0x3  }
0xac: {  	[hbm:s16], [sflag:s0] =	dma.local [spmem:s5], $0x800  }
0xad: {  	[hbm:s17], [sflag:s0] =	dma.local [spmem:s12], $0x800  }
0xae: {  	[hbm:s18], [sflag:s0] =	dma.local [spmem:s31], $0x800  }
0xaf: {  	_ =	swait.ge [sflag:s26], $0x800  }
0xb0: {  	[sflag:s26] =	ssyncset.done $0x0  }
0xb1: {  	[sflag:s26] =	ssyncadd.s32 $0xFFFFF800  }
0xb2: {  	_ =	swait.ge [sflag:s26], $0x800  }
0xb3: {  	[sflag:s26] =	ssyncset.done $0x0  }
0xb4: {  	[sflag:s26] =	ssyncadd.s32 $0xFFFFF800  }
0xb5: {  	_ =	swait.ge [sflag:s26], $0x800  }
0xb6: {  	[sflag:s26] =	ssyncset.done $0x0  }
0xb7: {  	s30 =	sadd.s32 $0x1, s30;
	[sflag:s26] =	ssyncadd.s32 $0xFFFFF800  }
0xb8: {  	p1 =	sne.s32 s30, s19;
	_ =	swait.ge [sflag:s26], $0x800  }
.Ltmp1:
0xb9: {  	[sflag:s26] =	ssyncset.done $0x0;
	(pc) =	sbr.rel @p1 .LBB2_1-.Ltmp1, $4  }
0xba: {  	[sflag:s26] =	ssyncadd.s32 $0xFFFFF800  }
0xbb: {  	_ =	swait.ge [sflag:s26], $0x800  }
0xbc: {  	[sflag:s26] =	ssyncset.done $0x0  }
0xbd: {  	[sflag:s26] =	ssyncadd.s32 $0xFFFFF800  }
0xbe: {  	_ =	sfence.sel $0x180000  }
0xbf: {  	[bflag:$0x0] =	sbarrier.arrive $0xFFFF  }
0xc0: {  	_ =	strace $0x9000004A  }
0xc1: {  	s0 =	stileid.u32;
	[bflag:$0x2] =	sbarrier.arrive $0xFFFF  }
0xc2: {  	p0 =	sne.s32 s0, $0x0;
	s0 =	rddreg [dreg:$0x4]  }
0xc3: {  	s0 =	sadd.s32 @!p0 $0x100000, s0  }
0xc4: {  	[sflag:s0] =	ssyncadd.tile.s32 @!p0 $0x1;
	_ =	shalt  }
.Lfunc_end2:
_tile_overlayer_lowered:
.L_overlay_start_2:
0xc5: {  	(tag) =	ssettag $0x2  }
0xc6: {  	s0 =	rddreg [dreg:$0x0];
	s2 =	stileid.u32  }
0xc7: {  	s1 =	rddreg [dreg:$0x1];
	p0 =	sne.s32 s2, $0x0  }
0xc8: {  	s3 =	rddreg [dreg:$0x2];
	[bflag:$0x3] =	sbarrier.arrive $0xFFFF;
	s2 =	simm.s32 @!p0 $0x1C03  }
0xc9: {  	[timem:s3], [sflag:s2] =	dma.local @!p0 [hbm:s0], s1  }
0xca: {  	s0 =	simm.s32 @!p0 $0x3  }
0xcb: {  	_ =	swait.ge @!p0 [sflag:s0], s1  }
0xcc: {  	s1 =	ssub.s32 @!p0 $0x0, s1;
	[sflag:s0] =	ssyncset.done @!p0 $0x0  }
0xcd: {  	[sflag:s0] =	ssyncadd.s32 @!p0 s1  }
0xce: {  	[bflag:$0x3] =	sbarrier.arrive $0xFFFF  }
0xcf: {  	_ =	shalt  }

// kernel: kernel.8.cloned.1.call-start
scs
__scs_entry_jumppad:
0x0: {  	(pc) =	sbr.rel $0x88, $3  }
0x1: {  	(tag) =	ssettag $0x0;
	lr =	simm.s32 $0x1  }
0x2: {  	[smem:$0x3F99] =	sst lr;
	_ =	strace $0xD0000000  }
0x3: {  	_ = 	snop  }
0x4: {  	_ = 	snop  }
0x5: {  	_ = 	snop  }
0x6: {  	_ = 	snop  }
0x7: {  	_ = 	snop  }
__scs_overlays_trampoline_lowered:
0x8: {  	[smem:$0x3FA8] =	sst s0  }
0x9: {  	[smem:$0x3FA9] =	sst s1  }
0xa: {  	[smem:$0x3FAA] =	sst s2  }
0xb: {  	[smem:$0x3FAB] =	sst s3  }
0xc: {  	[smem:$0x3FAC] =	sst s4  }
0xd: {  	[smem:$0x3FAD] =	sst s5  }
0xe: {  	[smem:$0x3FAE] =	sst s6  }
0xf: {  	[smem:$0x3FAF] =	sst s7  }
0x10: {  	[smem:$0x3FB0] =	sst s8  }
0x11: {  	[smem:$0x3FB1] =	sst s9;
	s0 =	simm.s32 @!p0 $0x0  }
0x12: {  	s1 =	sld [smem:$0x3F97];
	s0 =	simm.s32 @p0 $0x1  }
0x13: {  	[smem:$0x3FB2] =	sst s0;
	s0 =	simm.s32 @!p1 $0x0  }
0x14: {  	s2 =	sld [smem:$0x3F96];
	s0 =	simm.s32 @p1 $0x1  }
0x15: {  	[smem:$0x3FB3] =	sst s0;
	s0 =	simm.s32 @!p2 $0x0  }
0x16: {  	s3 =	sld [smem:$0x3FDB];
	s0 =	simm.s32 @p2 $0x1  }
0x17: {  	s4 =	simm.s32 $0x1BF5;
	[smem:$0x3FB5] =	sst s0  }
0x18: {  	s0 =	sld [smem:$0x3F98];
	_ =	swait.ge [sflag:s4], $0x0  }
0x19: {  	s7 =	sld [smem:$0x3F99]  }
0x1a: {  	s8 =	sadd.s32 $0xFFFFE003, lr  }
0x1b: {  	s9 =	sadd.s32 $0xFFFFFEF7, lr;
	s5 =	simm.s32 $0xFFFFFFFF;
	p2 =	slt.u32 s8, $0xFFFFF086  }
0x1c: {  	p1 =	slt.u32 s9, $0xF7A;
	s5 =	simm.s32 @!p2 $0x0  }
0x1d: {  	s5 =	simm.s32 @p1 $0x1;
	p0 =	seq.s32 s7, s2  }
0x1e: {  	s7 =	smul.u32 @!p0 $0xF7A, s2;
	p2 =	seq.s32 @!p0 s5, $0x0  }
0x1f: {  	s9 =	smul.u32 $0xF7A, s1;
	s8 =	simm.s32 @!p0 $0x1BF5;
	p2 =	por !p2, p0  }
0x20: {  	[sflag:s8] =	ssyncset.s32 @!p0 $0xFFFFF086;
	s6 =	sadd.s32 @!p0 s3, s7;
	s7 =	simm.s32 @!p0 $0x108  }
0x21: {  	s3 =	sadd.s32 s3, s9;
	s6 =	sadd.s32 @!p0 $0x88, s6;
	s7 =	simm.s32 @p2 $0x1082  }
0x22: {  	[simem:s7], [sflag:s8] =	dma.local @!p0 [hbm:s6], $0xF7A  }
0x23: {  	s9 =	sor.u32 $0xD0000000, s2;
	s6 =	simm.s32 $0x108;
	_ =	swait.ge @!p0 [sflag:s8], $0x0  }
0x24: {  	s3 =	sadd.s32 $0x88, s3;
	s6 =	simm.s32 @!p1 $0x1082;
	[sflag:s4] =	ssyncset.s32 $0xFFFFF086  }
0x25: {  	[simem:s6], [sflag:s4] =	dma.local [hbm:s3], $0xF7A  }
0x26: {  	[smem:$0x3F99] =	sst s1;
	(tag) =	ssettag s2;
	_ =	strace s9  }
0x27: {  	s1 =	sld [smem:$0x3FA9]  }
0x28: {  	s2 =	sld [smem:$0x3FAA]  }
0x29: {  	s4 =	sld [smem:$0x3FAC]  }
0x2a: {  	p0 =	seq.s32 s5, $0x0;
	s5 =	sld [smem:$0x3FAD]  }
0x2b: {  	s6 =	sld [smem:$0x3FAE]  }
0x2c: {  	s7 =	sld [smem:$0x3FAF]  }
0x2d: {  	s3 =	simm.s32 $0x108;
	s8 =	sld [smem:$0x3FB0]  }
0x2e: {  	s3 =	simm.s32 @!p0 $0x1082;
	s9 =	sld [smem:$0x3FB1]  }
0x2f: {  	lr =	sadd.s32 s0, s3;
	s0 =	sld [smem:$0x3FA8]  }
0x30: {  	s3 =	sld [smem:$0x3FAB]  }
0x31: {  	[smem:$0x3FB4] =	sst s10  }
0x32: {  	s10 =	sld [smem:$0x3FB2];
	_ =	sdelay $0x3  }
0x33: {  	p0 =	seq.s32 s10, $0x1;
	s10 =	sld [smem:$0x3FB4];
	_ =	sdelay $0x3  }
0x34: {  	[smem:$0x3FB4] =	sst s10  }
0x35: {  	s10 =	sld [smem:$0x3FB3];
	_ =	sdelay $0x3  }
0x36: {  	p1 =	seq.s32 s10, $0x1;
	s10 =	sld [smem:$0x3FB4];
	_ =	sdelay $0x3  }
0x37: {  	[smem:$0x3FB4] =	sst s10  }
0x38: {  	s10 =	sld [smem:$0x3FB5]  }
0x39: {  	_ = 	snop;
	(pc) =	sbr.ind lr, $3  }
0x3a: {  	_ = 	snop  }
0x3b: {  	_ = 	snop  }
0x3c: {  	p2 =	seq.s32 s10, $0x1;
	s10 =	sld [smem:$0x3FB4]  }
0x3d: {  	_ =	shalt  }
0x3e: {  	_ =	shalt  }
0x3f: {  	_ =	shalt  }
0x40: {  	_ =	shalt  }
0x41: {  	_ =	shalt  }
0x42: {  	_ =	shalt  }
0x43: {  	_ =	shalt  }
0x44: {  	_ =	shalt  }
0x45: {  	_ =	shalt  }
0x46: {  	_ =	shalt  }
0x47: {  	_ =	shalt  }
0x48: {  	_ =	shalt  }
0x49: {  	_ =	shalt  }
0x4a: {  	_ =	shalt  }
0x4b: {  	_ =	shalt  }
0x4c: {  	_ =	shalt  }
0x4d: {  	_ =	shalt  }
0x4e: {  	_ =	shalt  }
0x4f: {  	_ =	shalt  }
0x50: {  	_ =	shalt  }
0x51: {  	_ =	shalt  }
0x52: {  	_ =	shalt  }
0x53: {  	_ =	shalt  }
0x54: {  	_ =	shalt  }
0x55: {  	_ =	shalt  }
0x56: {  	_ =	shalt  }
0x57: {  	_ =	shalt  }
0x58: {  	_ =	shalt  }
0x59: {  	_ =	shalt  }
0x5a: {  	_ =	shalt  }
0x5b: {  	_ =	shalt  }
0x5c: {  	_ =	shalt  }
0x5d: {  	_ =	shalt  }
0x5e: {  	_ =	shalt  }
0x5f: {  	_ =	shalt  }
0x60: {  	_ =	shalt  }
0x61: {  	_ =	shalt  }
0x62: {  	_ =	shalt  }
0x63: {  	_ =	shalt  }
0x64: {  	_ =	shalt  }
0x65: {  	_ =	shalt  }
0x66: {  	_ =	shalt  }
0x67: {  	_ =	shalt  }
0x68: {  	_ =	shalt  }
0x69: {  	_ =	shalt  }
0x6a: {  	_ =	shalt  }
0x6b: {  	_ =	shalt  }
0x6c: {  	_ =	shalt  }
0x6d: {  	_ =	shalt  }
0x6e: {  	_ =	shalt  }
0x6f: {  	_ =	shalt  }
0x70: {  	_ =	shalt  }
0x71: {  	_ =	shalt  }
0x72: {  	_ =	shalt  }
0x73: {  	_ =	shalt  }
0x74: {  	_ =	shalt  }
0x75: {  	_ =	shalt  }
0x76: {  	_ =	shalt  }
0x77: {  	_ =	shalt  }
0x78: {  	_ =	shalt  }
0x79: {  	_ =	shalt  }
0x7a: {  	_ =	shalt  }
0x7b: {  	_ =	shalt  }
0x7c: {  	_ =	shalt  }
0x7d: {  	_ =	shalt  }
0x7e: {  	_ =	shalt  }
0x7f: {  	_ =	shalt  }
0x80: {  	_ =	shalt  }
0x81: {  	_ =	shalt  }
0x82: {  	_ =	shalt  }
0x83: {  	_ =	shalt  }
0x84: {  	_ =	shalt  }
0x85: {  	_ =	shalt  }
0x86: {  	_ =	shalt  }
0x87: {  	_ =	shalt  }
.Lfunc_end0:
.L_simem_size_0:
called_computation_lowered:
.L_overlay_start_0:
0x88: {  	s2 =	sld [smem:$0x3FD9]  }
0x89: {  	s3 =	sld [smem:$0x3FFE];
	_ =	sdelay $0x1  }
0x8a: {  	s1 =	srdreg.scid  }
0x8b: {  	s0 =	sand.u32 $0x1, s1  }
0x8c: {  	s17 =	sshll.u32 s0, $0xA;
	s2 =	sadd.s32 s3, s2  }
0x8d: {  	s2 =	sadd.s32 s2, s17  }
0x8e: {  	[smem:$0x3FC0] =	sst s2  }
0x8f: {  	_ = 	snop  }
0x90: {  	s2 =	sld [smem:$0x3FC8]  }
0x91: {  	s18 =	sld [smem:$0x3FD0];
	(tm) =	ssettm $0x1  }
0x92: {  	s4 =	sld [smem:$0x3FFB];
	_ =	sdelay $0x3  }
0x93: {  	_ =	strace s4  }
0x94: {  	s4 =	sld [smem:$0x3FFC];
	_ =	sdelay $0x3  }
0x95: {  	_ =	strace s4  }
0x96: {  	s4 =	sld [smem:$0x3FFD];
	_ =	sdelay $0x3  }
0x97: {  	_ =	strace s4  }
0x98: {  	_ =	strace $0x8FFFFFFF  }
0x99: {  	s19 =	sld [smem:$0x3FDB];
	_ =	sdelay $0x1  }
0x9a: {  	s5 =	simm.s32 $_scs_section_size  }
0x9b: {  	s6 =	simm.s32 $_size__tile_overlayer_lowered;
	s7 =	simm.s32 $_tile_overlayer_lowered  }
0x9c: {  	s22 =	simm.s32 $0x1BFF;
	s21 =	sshll.u32 s7, $0x1;
	s4 =	sadd.s32 s5, s19  }
0x9d: {  	s8 =	simm.s32 $0x0;
	s20 =	sshll.u32 s6, $0x1;
	s6 =	sadd.s32 s21, s4  }
0x9e: {  	[timem:s8], [sflag:s22] =	dma.local [hbm:s6], s20  }
0x9f: {  	_ =	swait.ge [sflag:s22], s20  }
0xa0: {  	s5 =	ssub.s32 $0x0, s20;
	[sflag:s22] =	ssyncset.done $0x0  }
0xa1: {  	[sflag:s22] =	ssyncadd.s32 s5;
	_ =	sdelay $0x1  }
0xa2: {  	s23 =	simm.s32 $0x1B8B  }
0xa3: {  	_ =	swait.ge [sflag:s23], $0x1  }
0xa4: {  	[sflag:s23] =	ssyncset.done $0x0  }
0xa5: {  	s25 =	simm.s32 $0x1B8E;
	s24 =	sld [smem:$0x3FFE];
	[sflag:s23] =	ssyncadd.s32 $0xFFFFFFFF  }
0xa6: {  	s26 =	simm.s32 $execute0_lowered;
	[smem:$0x3FD2] =	sst s25  }
0xa7: {  	s6 =	sshll.u32 s26, $0x1;
	_ =	strace $0x80000046;
	[dreg:$0x1] =	wrdreg $0xFFFFFFFF  }
0xa8: {  	s28 =	simm.s32 $_size_execute0_lowered;
	s4 =	sadd.s32 s4, s6;
	[dreg:$0x0] =	wrdreg $0x0  }
0xa9: {  	s6 =	sshll.u32 s28, $0x1;
	[dreg:$0x2] =	wrdreg s4  }
0xaa: {  	[dreg:$0x3] =	wrdreg s6  }
0xab: {  	[dreg:$0x4] =	wrdreg $0xC0  }
0xac: {  	_ =	task [dreg:s8], $0x5FFFF  }
0xad: {  	[dreg:$0x1] =	wrdreg $0xFFFFFFFF  }
0xae: {  	[dreg:$0x0] =	wrdreg $0x60  }
0xaf: {  	[dreg:$0x2] =	wrdreg s18  }
0xb0: {  	[dreg:$0x3] =	wrdreg s2  }
0xb1: {  	[dreg:$0x4] =	wrdreg s24  }
0xb2: {  	[dreg:$0x5] =	wrdreg $0x82000  }
0xb3: {  	[dreg:$0x6] =	wrdreg $0x9  }
0xb4: {  	_ =	task.clear_ibuf [dreg:s8], $0x7FFFF;
	_ =	strace $0x90000046  }
0xb5: {  	s29 =	simm.s32 $0x9;
	_ =	strace $0x80000048  }
0xb6: {  	_ =	swait.ge [sflag:s29], $0x1  }
0xb7: {  	[sflag:s29] =	ssyncadd.s32 $0xFFFFFFFF  }
0xb8: {  	_ =	strace $0x90000048  }
0xb9: {  	_ =	sfence  }
0xba: {  	s30 =	sld [smem:$0x0];
	_ =	sdelay $0x2  }
0xbb: {  	s31 =	sshll.u32 s1, $0xD;
	s1 =	sshrl.u32 s1, $0x2  }
0xbc: {  	s3 =	sand.u32 $0x4000, s31;
	s1 =	sadd.s32 s1, s30  }
0xbd: {  	s0 =	sor.u32 s3, s0;
	s1 =	sshll.u32 s1, $0x11  }
0xbe: {  	s0 =	sor.u32 s1, s0  }
0xbf: {  	s0 =	sadd.s32 $0x8F2B, s0  }
0xc0: {  	[sflag:s0] =	ssyncadd.remote.s32 $0x1  }
0xc1: {  	_ =	sfence.sel $0xFFFF  }
0xc2: {  	[dreg:$0x0] =	wrdreg $0xFFFFFFFF;
	(pc) =	sbr.abs _section_cstart, $3  }
0xc3: {  	[dreg:$0x1] =	wrdreg $0xFFFFFFFF  }
0xc4: {  	_ =	task.clear_ibuf [dreg:s8], $0x2FFFF;
	_ =	strace $0x9FFFFFFF  }
0xc5: {  	(tm) =	ssettm $0x7FFFFFFF  }
tec
execute0_lowered:
.L_overlay_start_1:
0x0: {  	(tag) =	ssettag $0x1  }
0x1: {  	s1 =	rddreg [dreg:$0x0]  }
0x2: {  	s0 =	rddreg [dreg:$0x1]  }
0x3: {  	s6 =	rddreg [dreg:$0x2]  }
0x4: {  	s2 =	rddreg [dreg:$0x3]  }
0x5: {  	s3 =	simm.s32 $0x0;
	s7 =	srdreg.scid;
	s15 =	stileid.u32  }
0x6: {  	s28 =	simm.s32 $0x2;
	s29 =	simm.s32 $0x4180;
	s30 =	simm.s32 $0x0  }
0x7: {  	[smem:$0x7FF] =	sst s3;
	s4 =	sadd.s32 $0x2200, s6;
	s17 =	smul.u32 $0x50000, s15  }
0x8: {  	s19 =	sand.u32 $0x1, s7;
	s18 =	sadd.s32 $0x2A00, s6;
	s13 =	smul.u32 $0x280, s15  }
0x9: {  	_ =	strace $0x80000047;
	[dreg:$0x5] =	wrdreg s4;
	s16 =	ssub.s32 $0x2, s19  }
0xa: {  	s9 =	sshll.u32 s19, $0x4;
	s31 =	sshll.u32 s19, $0x9;
	s8 =	sshrl.u32 s16, $0x1  }
0xb: {  	s25 =	sor.u32 s15, s9;
	s21 =	sshrl.u32 s17, $0x2;
	s14 =	sadd.s32 $0x80, s13  }
0xc: {  	s17 =	sadd.s32 $0x180, s13;
	s15 =	sshll.u32 s15, $0x5;
	s20 =	ssub.s32 s16, s8  }
0xd: {  	s6 =	sadd.s32 s21, s2;
	s16 =	sadd.s32 $0x100, s13;
	s22 =	sshll.u32 s14, $0x7  }
0xe: {  	s24 =	sshll.u32 s17, $0x7;
	s21 =	sadd.s32 $0x200, s13;
	s10 =	sshll.u32 s25, $0x5  }
0xf: {  	p0 =	sgt.u32 s25, $0x3;
	s25 =	simm.s32 $0x4200;
	s23 =	sshll.u32 s16, $0x7  }
0x10: {  	s7 =	sadd.s32 s22, s2;
	s9 =	sadd.s32 s24, s2;
	s11 =	sshll.u32 s21, $0x7  }
0x11: {  	s10 =	sadd.s32 s0, s10;
	s22 =	smul.u32 $0x2800, s19;
	s0 =	sadd.s32 s15, s0  }
0x12: {  	s19 =	smax.u32 s20, $0x1;
	s24 =	simm.s32 $0x80;
	s8 =	sadd.s32 s23, s2  }
0x13: {  	s11 =	sadd.s32 s11, s2;
	s5 =	sadd.s32 $0x13400, s10;
	s20 =	sadd.s32 s31, s0  }
0x14: {  	[dreg:$0x6] =	wrdreg s5;
	s26 =	sadd.s32 s13, s22;
	s14 =	sadd.s32 s22, s14  }
0x15: {  	s13 =	sadd.s32 $0x13800, s0;
	s16 =	sadd.s32 s22, s16;
	s17 =	sadd.s32 s22, s17  }
0x16: {  	s21 =	sadd.s32 s22, s21;
	s22 =	simm.s32 $0x3;
	s15 =	sshll.u32 s26, $0x4  }
0x17: {  	s23 =	sshll.u32 s14, $0x4;
	s16 =	sshll.u32 s16, $0x4;
	s17 =	sshll.u32 s17, $0x4  }
0x18: {  	s21 =	sshll.u32 s21, $0x4;
	s26 =	simm.s32 $0x1;
	s14 =	sadd.s32 s18, s15  }
0x19: {  	s15 =	sadd.s32 s18, s23;
	s16 =	sadd.s32 s18, s16;
	s17 =	sadd.s32 s18, s17  }
0x1a: {  	s18 =	sadd.s32 s18, s21;
	s21 =	simm.s32 $0x100;
	s23 =	simm.s32 $0x4100  }
.LBB2_1:
0x1b: {  	s0 =	rddreg [dreg:$0x5]  }
0x1c: {  	[tilespmem:s21], [sflag:$0x3] =	stream.linear.gather [hbm4b:s0+s3], $0x4000, $0x38;
	[tilespmem:$0x1C200] =	vst v63  }
0x1d: {  	_ =	swait.ge [sflag:s22], $0x4000  }
0x1e: {  	[sflag:s22] =	ssyncset.done $0x0  }
0x1f: {  	[sflag:s22] =	ssyncadd.s32 $0xFFFFC000  }
0x20: {  	[spmem:s6] =	stream.linear.scatter [tilespmem:s21], [sflag:$0x1], $0x4000, $0x38;
	[tilespmem:$0x1C200] =	vst v63  }
0x21: {  	_ = 	snop  }
0x22: {  	[spmem:s7] =	stream.linear.scatter [tilespmem:s21], [sflag:$0x1], $0x4000, $0x38;
	[tilespmem:$0x1C200] =	vst v63  }
0x23: {  	_ = 	snop  }
0x24: {  	[spmem:s8] =	stream.linear.scatter [tilespmem:s21], [sflag:$0x1], $0x4000, $0x38;
	[tilespmem:$0x1C200] =	vst v63  }
0x25: {  	_ = 	snop  }
0x26: {  	[spmem:s9] =	stream.linear.scatter [tilespmem:s21], [sflag:$0x1], $0x4000, $0x38;
	[tilespmem:$0x1C200] =	vst v63  }
0x27: {  	_ = 	snop  }
0x28: {  	[spmem:s11] =	stream.linear.scatter [tilespmem:s21], [sflag:$0x1], $0x4000, $0x38;
	[tilespmem:$0x1C200] =	vst v63  }
0x29: {  	_ = 	snop  }
0x2a: {  	[tilespmem:s23], [sflag:$0x3] =	stream.linear.gather [hbm4b:s10+s3], $0x100, $0x38;
	[tilespmem:$0x1C200] =	vst v63  }
0x2b: {  	_ =	swait.ge [sflag:s22], $0x100  }
0x2c: {  	[sflag:s22] =	ssyncset.done $0x0  }
0x2d: {  	[sflag:s22] =	ssyncadd.s32 $0xFFFFFF00  }
0x2e: {  	[tilespmem:s25], [sflag:$0x2] =	stream.indirect.gather [hbm4b:s1+s24], $0x80, s23, s24, $0xb8;
	[tilespmem:$0x1C200] =	vst v63  }
0x2f: {  	_ =	swait.ge [sflag:s26], $0x4000  }
0x30: {  	[sflag:s26] =	ssyncset.done $0x0  }
0x31: {  	[sflag:s26] =	ssyncadd.s32 $0xFFFFC000  }
0x32: {  	_ =	swait.ge [sflag:s26], $0x4000  }
0x33: {  	[sflag:s26] =	ssyncset.done $0x0  }
0x34: {  	[sflag:s26] =	ssyncadd.s32 $0xFFFFC000  }
0x35: {  	_ =	swait.ge [sflag:s26], $0x4000  }
0x36: {  	[sflag:s26] =	ssyncset.done $0x0  }
0x37: {  	[sflag:s26] =	ssyncadd.s32 $0xFFFFC000  }
0x38: {  	_ =	swait.ge [sflag:s26], $0x4000  }
0x39: {  	[sflag:s26] =	ssyncset.done $0x0  }
0x3a: {  	[sflag:s26] =	ssyncadd.s32 $0xFFFFC000  }
0x3b: {  	_ =	swait.ge [sflag:s26], $0x4000  }
0x3c: {  	[sflag:s26] =	ssyncset.done $0x0  }
0x3d: {  	s12 =	sadd.s32 $0xFFFED000, s20;
	[sflag:s26] =	ssyncadd.s32 $0xFFFFC000  }
0x3e: {  	s31 =	sadd.s32 $0x13400, s12;
	[bflag:$0x0] =	sbarrier.arrive $0xFFFF  }
0x3f: {  	[tilespmem:s3], [sflag:$0x3] =	stream.linear.gather [hbm4b:s31+s3], $0x100, $0x38;
	[tilespmem:$0x1C200] =	vst v63  }
0x40: {  	_ =	swait.ge [sflag:s22], $0x100  }
0x41: {  	[sflag:s22] =	ssyncset.done $0x0  }
0x42: {  	[sflag:s22] =	ssyncadd.s32 $0xFFFFFF00  }
0x43: {  	[tilespmem:s21], [sflag:$0x1] =	stream.indirect.gather [hbm4b:s1+s24], $0x80, s3, s24, $0xb8;
	[tilespmem:$0x1C200] =	vst v63  }
0x44: {  	_ =	swait.ge [sflag:s28], $0x4000  }
0x45: {  	[sflag:s28] =	ssyncset.done $0x0  }
0x46: {  	[sflag:s28] =	ssyncadd.s32 $0xFFFFC000  }
0x47: {  	[spmem:s2] =	stream.indirect.scatter.add.f32 [tilespmem:s25], [sflag:$0x3], $0x80, s29, s24, $0xb8;
	[tilespmem:$0x1C200] =	vst v63  }
0x48: {  	_ =	swait.ge [sflag:s22], $0x4000  }
0x49: {  	[sflag:s22] =	ssyncset.done $0x0  }
0x4a: {  	s0 =	sadd.s32 $0x13800, s12;
	[sflag:s22] =	ssyncadd.s32 $0xFFFFC000  }
0x4b: {  	[tilespmem:s23], [sflag:$0x3] =	stream.linear.gather [hbm4b:s0+s3], $0x100, $0x38;
	[tilespmem:$0x1C200] =	vst v63  }
0x4c: {  	_ =	swait.ge [sflag:s22], $0x100  }
0x4d: {  	[sflag:s22] =	ssyncset.done $0x0  }
0x4e: {  	[sflag:s22] =	ssyncadd.s32 $0xFFFFFF00  }
0x4f: {  	[tilespmem:s25], [sflag:$0x2] =	stream.indirect.gather [hbm4b:s1+s24], $0x80, s23, s24, $0xb8;
	[tilespmem:$0x1C200] =	vst v63  }
0x50: {  	_ =	swait.ge [sflag:s26], $0x4000  }
0x51: {  	[sflag:s26] =	ssyncset.done $0x0  }
0x52: {  	[sflag:s26] =	ssyncadd.s32 $0xFFFFC000  }
0x53: {  	[spmem:s2] =	stream.indirect.scatter.add.f32 [tilespmem:s21], [sflag:$0x3], $0x80, s24, s24, $0xb8;
	[tilespmem:$0x1C200] =	vst v63  }
0x54: {  	_ =	swait.ge [sflag:s22], $0x4000  }
0x55: {  	s31 =	sadd.s32 $0xFFFED800, s20;
	s0 =	simm.s32 $0xFFFEE000;
	[sflag:s22] =	ssyncset.done $0x0  }
.LBB2_2:
0x56: {  	s4 =	sadd.s32 $0x13400, s31  }
0x57: {  	[sflag:s22] =	ssyncadd.s32 $0xFFFFC000;
	s5 =	smov.u32 s0;
	s12 =	sadd.s32 $0x800, s0  }
0x58: {  	[tilespmem:s3], [sflag:$0x3] =	stream.linear.gather [hbm4b:s4+s3], $0x100, $0x38;
	[tilespmem:$0x1C200] =	vst v63  }
0x59: {  	p1 =	sne.s32 s0, $0xFFFFF800;
	_ =	swait.ge [sflag:s22], $0x100  }
0x5a: {  	[sflag:s22] =	ssyncset.done $0x0  }
0x5b: {  	[sflag:s22] =	ssyncadd.s32 $0xFFFFFF00  }
0x5c: {  	[tilespmem:s21], [sflag:$0x1] =	stream.indirect.gather [hbm4b:s1+s24], $0x80, s3, s24, $0xb8;
	[tilespmem:$0x1C200] =	vst v63  }
0x5d: {  	_ =	swait.ge [sflag:s28], $0x4000  }
0x5e: {  	[sflag:s28] =	ssyncset.done $0x0  }
0x5f: {  	[sflag:s28] =	ssyncadd.s32 $0xFFFFC000  }
0x60: {  	[spmem:s2] =	stream.indirect.scatter.add.f32 [tilespmem:s25], [sflag:$0x3], $0x80, s29, s24, $0xb8;
	[tilespmem:$0x1C200] =	vst v63  }
0x61: {  	_ =	swait.ge [sflag:s22], $0x4000  }
0x62: {  	[sflag:s22] =	ssyncset.done $0x0  }
0x63: {  	s0 =	sadd.s32 $0x13800, s31;
	[sflag:s22] =	ssyncadd.s32 $0xFFFFC000  }
0x64: {  	[tilespmem:s23], [sflag:$0x3] =	stream.linear.gather [hbm4b:s0+s3], $0x100, $0x38;
	[tilespmem:$0x1C200] =	vst v63  }
0x65: {  	_ =	swait.ge [sflag:s22], $0x100  }
0x66: {  	[sflag:s22] =	ssyncset.done $0x0  }
0x67: {  	[sflag:s22] =	ssyncadd.s32 $0xFFFFFF00  }
0x68: {  	[tilespmem:s25], [sflag:$0x2] =	stream.indirect.gather [hbm4b:s1+s24], $0x80, s23, s24, $0xb8;
	[tilespmem:$0x1C200] =	vst v63  }
0x69: {  	_ =	swait.ge [sflag:s26], $0x4000  }
.Ltmp0:
0x6a: {  	[sflag:s26] =	ssyncset.done $0x0;
	(pc) =	sbr.rel @p1 .LBB2_2-.Ltmp0, $4  }
0x6b: {  	[sflag:s26] =	ssyncadd.s32 $0xFFFFC000  }
0x6c: {  	[spmem:s2] =	stream.indirect.scatter.add.f32 [tilespmem:s21], [sflag:$0x3], $0x80, s24, s24, $0xb8;
	[tilespmem:$0x1C200] =	vst v63  }
0x6d: {  	_ =	swait.ge [sflag:s22], $0x4000  }
0x6e: {  	s31 =	sadd.s32 s5, s20;
	s0 =	smov.u32 s12;
	[sflag:s22] =	ssyncset.done $0x0  }
0x6f: {  	s0 =	sadd.s32 $0x13400, s31;
	[sflag:s22] =	ssyncadd.s32 $0xFFFFC000  }
0x70: {  	[tilespmem:s3], [sflag:$0x3] =	stream.linear.gather [hbm4b:s0+s3], $0x100, $0x38;
	[tilespmem:$0x1C200] =	vst v63  }
0x71: {  	_ =	swait.ge [sflag:s22], $0x100  }
0x72: {  	[sflag:s22] =	ssyncset.done $0x0  }
0x73: {  	[sflag:s22] =	ssyncadd.s32 $0xFFFFFF00  }
0x74: {  	[tilespmem:s21], [sflag:$0x1] =	stream.indirect.gather [hbm4b:s1+s24], $0x80, s3, s24, $0xb8;
	[tilespmem:$0x1C200] =	vst v63  }
0x75: {  	_ =	swait.ge [sflag:s28], $0x4000  }
0x76: {  	[sflag:s28] =	ssyncset.done $0x0  }
0x77: {  	[sflag:s28] =	ssyncadd.s32 $0xFFFFC000  }
0x78: {  	[spmem:s2] =	stream.indirect.scatter.add.f32 [tilespmem:s25], [sflag:$0x3], $0x80, s29, s24, $0xb8;
	[tilespmem:$0x1C200] =	vst v63  }
0x79: {  	_ =	swait.ge [sflag:s22], $0x4000  }
0x7a: {  	[sflag:s22] =	ssyncset.done $0x0  }
0x7b: {  	s31 =	sadd.s32 $0x13800, s31;
	[sflag:s22] =	ssyncadd.s32 $0xFFFFC000  }
0x7c: {  	[tilespmem:s23], [sflag:$0x3] =	stream.linear.gather [hbm4b:s31+s3], $0x100, $0x38;
	[tilespmem:$0x1C200] =	vst v63  }
0x7d: {  	_ =	swait.ge [sflag:s22], $0x100  }
0x7e: {  	[sflag:s22] =	ssyncset.done $0x0  }
0x7f: {  	[sflag:s22] =	ssyncadd.s32 $0xFFFFFF00  }
0x80: {  	[tilespmem:s25], [sflag:$0x2] =	stream.indirect.gather [hbm4b:s1+s24], $0x80, s23, s24, $0xb8;
	[tilespmem:$0x1C200] =	vst v63  }
0x81: {  	_ =	swait.ge [sflag:s26], $0x4000  }
0x82: {  	[sflag:s26] =	ssyncset.done $0x0  }
0x83: {  	[sflag:s26] =	ssyncadd.s32 $0xFFFFC000  }
0x84: {  	[spmem:s2] =	stream.indirect.scatter.add.f32 [tilespmem:s21], [sflag:$0x3], $0x80, s24, s24, $0xb8;
	[tilespmem:$0x1C200] =	vst v63  }
0x85: {  	_ =	swait.ge [sflag:s22], $0x4000  }
0x86: {  	[sflag:s22] =	ssyncset.done $0x0  }
0x87: {  	s4 =	rddreg [dreg:$0x6];
	[sflag:s22] =	ssyncadd.s32 $0xFFFFC000  }
0x88: {  	[tilespmem:s3], [sflag:$0x3] =	stream.linear.gather [hbm4b:s4+s3], $0x100, $0x38;
	[tilespmem:$0x1C200] =	vst v63  }
0x89: {  	_ =	swait.ge [sflag:s22], $0x100  }
0x8a: {  	[sflag:s22] =	ssyncset.done $0x0  }
0x8b: {  	[sflag:s22] =	ssyncadd.s32 $0xFFFFFF00  }
0x8c: {  	[tilespmem:s21], [sflag:$0x1] =	stream.indirect.gather [hbm4b:s1+s24], $0x80, s3, s24, $0xb8;
	[tilespmem:$0x1C200] =	vst v63  }
0x8d: {  	_ =	swait.ge [sflag:s28], $0x4000  }
0x8e: {  	[sflag:s28] =	ssyncset.done $0x0  }
0x8f: {  	[sflag:s28] =	ssyncadd.s32 $0xFFFFC000  }
0x90: {  	[spmem:s2] =	stream.indirect.scatter.add.f32 [tilespmem:s25], [sflag:$0x3], $0x80, s29, s24, $0xb8;
	[tilespmem:$0x1C200] =	vst v63  }
0x91: {  	_ =	swait.ge [sflag:s22], $0x4000  }
0x92: {  	[sflag:s22] =	ssyncset.done $0x0  }
0x93: {  	[sflag:s22] =	ssyncadd.s32 $0xFFFFC000  }
0x94: {  	_ =	swait.ge [sflag:s26], $0x4000  }
0x95: {  	[sflag:s26] =	ssyncset.done $0x0  }
0x96: {  	[sflag:s26] =	ssyncadd.s32 $0xFFFFC000  }
0x97: {  	[spmem:s2] =	stream.indirect.scatter.add.f32 [tilespmem:s21], [sflag:$0x3], $0x80, s24, s24, $0xb8;
	[tilespmem:$0x1C200] =	vst v63  }
0x98: {  	_ =	swait.ge [sflag:s22], $0x4000  }
0x99: {  	[sflag:s22] =	ssyncset.done $0x0  }
0x9a: {  	s0 =	simm.s32 @!p0 $0x0;
	s4 =	simm.s32 @!p0 $0x3;
	[sflag:s22] =	ssyncadd.s32 $0xFFFFC000  }
0x9b: {  	[tilespmem:s0], [sflag:$0x3] =	stream.linear.gather @!p0 [hbm4b:s13+s0], $0x100, $0x38;
	[tilespmem:$0x1C200] =	vst v63  }
0x9c: {  	_ =	swait.ge @!p0 [sflag:s4], $0x100  }
0x9d: {  	[sflag:s4] =	ssyncset.done @!p0 $0x0  }
0x9e: {  	s5 =	simm.s32 @!p0 $0x80;
	s12 =	simm.s32 @!p0 $0x100;
	[sflag:s4] =	ssyncadd.s32 @!p0 $0xFFFFFF00  }
0x9f: {  	[tilespmem:s12], [sflag:$0x1] =	stream.indirect.gather @!p0 [hbm4b:s1+s5], $0x80, s0, s5, $0xb8;
	[tilespmem:$0x1C200] =	vst v63  }
0xa0: {  	s0 =	simm.s32 @!p0 $0x1  }
0xa1: {  	_ =	swait.ge @!p0 [sflag:s0], $0x4000  }
0xa2: {  	[sflag:s0] =	ssyncset.done @!p0 $0x0  }
0xa3: {  	[sflag:s0] =	ssyncadd.s32 @!p0 $0xFFFFC000  }
0xa4: {  	[spmem:s2] =	stream.indirect.scatter.add.f32 @!p0 [tilespmem:s12], [sflag:$0x3], $0x80, s5, s5, $0xb8;
	[tilespmem:$0x1C200] =	vst v63  }
0xa5: {  	_ =	swait.ge @!p0 [sflag:s4], $0x4000  }
0xa6: {  	s5 =	stileid.u32;
	[sflag:s4] =	ssyncset.done @!p0 $0x0  }
0xa7: {  	s31 =	sshrl.u32 s7, $0x3;
	s0 =	sshll.u32 s5, $0x6;
	[sflag:s4] =	ssyncadd.s32 @!p0 $0xFFFFC000  }
0xa8: {  	s12 =	sshrl.u32 s6, $0x3;
	s0 =	sor.u32 $0x1C01, s0;
	[bflag:$0x0] =	sbarrier.arrive $0xFFFF  }
0xa9: {  	[hbm:s14], [sflag:s0] =	dma.local [spmem:s12], $0x800  }
0xaa: {  	[hbm:s15], [sflag:s0] =	dma.local [spmem:s31], $0x800  }
0xab: {  	s5 =	sshrl.u32 s8, $0x3;
	s12 =	sshrl.u32 s9, $0x3;
	s31 =	sshrl.u32 s11, $0x3  }
0xac: {  	[hbm:s16], [sflag:s0] =	dma.local [spmem:s5], $0x800  }
0xad: {  	[hbm:s17], [sflag:s0] =	dma.local [spmem:s12], $0x800  }
0xae: {  	[hbm:s18], [sflag:s0] =	dma.local [spmem:s31], $0x800  }
0xaf: {  	_ =	swait.ge [sflag:s26], $0x800  }
0xb0: {  	[sflag:s26] =	ssyncset.done $0x0  }
0xb1: {  	[sflag:s26] =	ssyncadd.s32 $0xFFFFF800  }
0xb2: {  	_ =	swait.ge [sflag:s26], $0x800  }
0xb3: {  	[sflag:s26] =	ssyncset.done $0x0  }
0xb4: {  	[sflag:s26] =	ssyncadd.s32 $0xFFFFF800  }
0xb5: {  	_ =	swait.ge [sflag:s26], $0x800  }
0xb6: {  	[sflag:s26] =	ssyncset.done $0x0  }
0xb7: {  	s30 =	sadd.s32 $0x1, s30;
	[sflag:s26] =	ssyncadd.s32 $0xFFFFF800  }
0xb8: {  	p1 =	sne.s32 s30, s19;
	_ =	swait.ge [sflag:s26], $0x800  }
.Ltmp1:
0xb9: {  	[sflag:s26] =	ssyncset.done $0x0;
	(pc) =	sbr.rel @p1 .LBB2_1-.Ltmp1, $4  }
0xba: {  	[sflag:s26] =	ssyncadd.s32 $0xFFFFF800  }
0xbb: {  	_ =	swait.ge [sflag:s26], $0x800  }
0xbc: {  	[sflag:s26] =	ssyncset.done $0x0  }
0xbd: {  	[sflag:s26] =	ssyncadd.s32 $0xFFFFF800  }
0xbe: {  	_ =	sfence.sel $0x180000  }
0xbf: {  	[bflag:$0x0] =	sbarrier.arrive $0xFFFF  }
0xc0: {  	_ =	strace $0x90000047  }
0xc1: {  	s0 =	stileid.u32;
	[bflag:$0x2] =	sbarrier.arrive $0xFFFF  }
0xc2: {  	p0 =	sne.s32 s0, $0x0;
	s0 =	rddreg [dreg:$0x4]  }
0xc3: {  	s0 =	sadd.s32 @!p0 $0x100000, s0  }
0xc4: {  	[sflag:s0] =	ssyncadd.tile.s32 @!p0 $0x1;
	_ =	shalt  }
.Lfunc_end2:
_tile_overlayer_lowered:
.L_overlay_start_2:
0xc5: {  	(tag) =	ssettag $0x2  }
0xc6: {  	s0 =	rddreg [dreg:$0x0];
	s2 =	stileid.u32  }
0xc7: {  	s1 =	rddreg [dreg:$0x1];
	p0 =	sne.s32 s2, $0x0  }
0xc8: {  	s3 =	rddreg [dreg:$0x2];
	[bflag:$0x3] =	sbarrier.arrive $0xFFFF;
	s2 =	simm.s32 @!p0 $0x1C03  }
0xc9: {  	[timem:s3], [sflag:s2] =	dma.local @!p0 [hbm:s0], s1  }
0xca: {  	s0 =	simm.s32 @!p0 $0x3  }
0xcb: {  	_ =	swait.ge @!p0 [sflag:s0], s1  }
0xcc: {  	s1 =	ssub.s32 @!p0 $0x0, s1;
	[sflag:s0] =	ssyncset.done @!p0 $0x0  }
0xcd: {  	[sflag:s0] =	ssyncadd.s32 @!p0 s1  }
0xce: {  	[bflag:$0x3] =	sbarrier.arrive $0xFFFF  }
0xcf: {  	_ =	shalt  }

</sc_bundles>
